<compile_context>
chip_gen: v7x
topology: tpu7x:2x2x1
jax: 0.10.2.dev20260603
libtpu: 0.0.44.dev20260713+nightly
codegen_flags: <defaults>
</compile_context>

<pallas_src>
import functools

import jax
import jax.numpy as jnp
from jax.experimental import pallas as pl
import jax.experimental.pallas.tpu as pltpu

B = 8192
D = 256
K = 8192
L = 4

B_TILE = 512
K_TILE = 4096
CHUNK = 64

BIG = 3.0e38


def _argmin_body(emb_ref, res_ref, e2_ref, x2_ref, idx_ref, gv_ref, gi_ref,
                 *, n_k):
    k = pl.program_id(0)
    b = pl.program_id(1)
    lane_sl = pl.ds(b * B_TILE, B_TILE)

    rs16 = res_ref[...].astype(jnp.bfloat16)
    x2r = x2_ref[...]
    sub_iota = jax.lax.broadcasted_iota(jnp.int32, (8, B_TILE), 0)
    base = k * K_TILE

    def dot_chunk(c):
        eblk16 = emb_ref[pl.ds(c * CHUNK, CHUNK), :].astype(jnp.bfloat16)
        return jax.lax.dot_general(
            eblk16, rs16, (((1,), (1,)), ((), ())),
            preferred_element_type=jnp.float32)

    def process(c, dots, rm, ra):
        e2c = e2_ref[pl.ds(c * CHUNK, CHUNK), :]
        scores = (x2r + e2c) - 2.0 * dots
        for g in range(CHUNK // 8):
            v = scores[g * 8:(g + 1) * 8, :]
            kidx = sub_iota + (base + c * CHUNK + g * 8)
            better = v < rm
            rm = jnp.minimum(rm, v)
            ra = jnp.where(better, kidx, ra)
        return rm, ra

    def chunk2(i, carry):
        rm, ra, d_prev = carry
        da = dot_chunk(2 * i)
        db = dot_chunk(2 * i + 1)
        rm, ra = process(2 * i - 1, d_prev, rm, ra)
        rm, ra = process(2 * i, da, rm, ra)
        return rm, ra, db

    n_c = K_TILE // CHUNK
    rm0 = jnp.full((8, B_TILE), BIG, jnp.float32)
    ra0 = jnp.zeros((8, B_TILE), jnp.int32)
    rm, ra = process(0, dot_chunk(0), rm0, ra0)
    rm, ra, d_last = jax.lax.fori_loop(
        1, n_c // 2, chunk2, (rm, ra, dot_chunk(1)))
    rm, ra = process(n_c - 1, d_last, rm, ra)

    wv = jnp.min(rm, axis=0, keepdims=True)
    cand = jnp.where(rm == wv, ra, jnp.int32(K))
    wi = jnp.min(cand, axis=0, keepdims=True)

    @pl.when(k == 0)
    def _():
        gv_ref[:, lane_sl] = wv
        gi_ref[:, lane_sl] = wi

    @pl.when(k > 0)
    def _():
        acc = gv_ref[:, lane_sl]
        av = acc.astype(jnp.bfloat16).astype(jnp.float32)
        upd = wv < av
        gv_ref[:, lane_sl] = jnp.where(upd, wv, av)
        gi_ref[:, lane_sl] = jnp.where(upd, wi, gi_ref[:, lane_sl])

    @pl.when(k == n_k - 1)
    def _():
        idx_ref[...] = gi_ref[:, lane_sl][None]


def _matmul_argmin(res, emb, e2, x2):
    n_b = B // B_TILE
    n_k = K // K_TILE
    idx3 = pl.pallas_call(
        functools.partial(_argmin_body, n_k=n_k),
        grid=(n_k, n_b),
        in_specs=[
            pl.BlockSpec((K_TILE, D), lambda k, b: (k, 0)),
            pl.BlockSpec((B_TILE, D), lambda k, b: (b, 0)),
            pl.BlockSpec((K_TILE, 1), lambda k, b: (k, 0)),
            pl.BlockSpec((1, B_TILE), lambda k, b: (0, b)),
        ],
        out_specs=pl.BlockSpec((1, 1, B_TILE), lambda k, b: (b, 0, 0)),
        out_shape=jax.ShapeDtypeStruct((n_b, 1, B_TILE), jnp.int32),
        scratch_shapes=[
            pltpu.VMEM((1, B), jnp.float32),
            pltpu.VMEM((1, B), jnp.int32),
        ],
    )(emb, res, e2, x2)
    return idx3.reshape(B)


def kernel(residual, codebooks):
    res = residual
    idxs = []
    for l in range(L):
        emb = codebooks[l]
        e2 = jnp.sum(emb ** 2, axis=1)[:, None]
        x2 = jnp.sum(res ** 2, axis=1)[None, :]
        idx = _matmul_argmin(res, emb, e2, x2)
        q = jnp.take(emb, idx, axis=0)
        res = res - q
        idxs.append(idx)
    codes = jnp.stack(idxs, axis=1)
    quantized_sum = residual - res
    return quantized_sum, codes

# --- scband reference (transcript-rebuilt; emitter-appended) ---
"""Pipeline reference for scband-rqcodebook-67010079752343 (READ-ONLY COPY).

The authoritative reference and input builder live on the scoring server;
editing this copy changes nothing except your own understanding.
"""

import jax, jax.numpy as jnp
import numpy as np

B = 8192
D = 256
K = 8192
L = 4

def setup_inputs(seed: int = 0) -> dict:
    key = jax.random.key(seed)
    k1, k2 = jax.random.split(key)
    residual = jax.random.normal(k1, (B, D), dtype=jnp.float32)
    codebooks = jax.random.normal(k2, (L, K, D), dtype=jnp.float32) * 0.1
    return {"residual": residual, "codebooks": codebooks}

def reference(residual, codebooks):
    levels = codebooks.shape[0]
    res = residual
    quantized_sum = jnp.zeros_like(residual)
    codes = []
    for l in range(levels):
        emb = codebooks[l]
        x2 = jnp.sum(res ** 2, axis=1, keepdims=True)
        e2 = jnp.sum(emb ** 2, axis=1)
        scores = x2 + e2 - 2.0 * (res @ emb.T)
        idx = jnp.argmin(scores, axis=1)
        codes.append(idx)
        q = jnp.take(emb, idx, axis=0)
        quantized_sum = quantized_sum + q
        res = res - q
    codes = jnp.stack(codes, axis=1)
    return (quantized_sum, codes)

if __name__ == "__main__":
    import jax
    _d = setup_inputs()
    print(jax.jit(kernel)(*tuple(_d.values())))

</pallas_src>

<mosaic_0001>
module attributes {stable_mosaic.version = 14 : i64} {
  func.func @_argmin_body(%arg0: i32, %arg1: i32, %arg2: memref<4096x256xf32, #tpu.memory_space<vmem>>, %arg3: memref<512x256xf32, #tpu.memory_space<vmem>>, %arg4: memref<4096x1xf32, #tpu.memory_space<vmem>>, %arg5: memref<1x512xf32, #tpu.memory_space<vmem>>, %arg6: memref<1x1x512xi32, #tpu.memory_space<vmem>>, %arg7: memref<1x8192xf32, #tpu.memory_space<vmem>>, %arg8: memref<1x8192xi32, #tpu.memory_space<vmem>>) attributes {dimension_semantics = [#tpu.dimension_semantics<arbitrary>, #tpu.dimension_semantics<arbitrary>], iteration_bounds = array<i64: 2, 16>, scalar_prefetch = 0 : i64, scratch_operands = 2 : i64, tpu.core_type = #tpu.core_type<tc>, window_params = [{transform_indices = @transform_0, window_bounds = array<i64: 4096, 256>}, {transform_indices = @transform_1, window_bounds = array<i64: 512, 256>}, {transform_indices = @transform_2, window_bounds = array<i64: 4096, 1>}, {transform_indices = @transform_3, window_bounds = array<i64: 1, 512>}, {transform_indices = @transform_4, window_bounds = array<i64: 1, 1, 512>}]} {
    %mul3A = arith.constant 512 : i32
    %mul3A_0 = arith.muli %arg1, %mul3A : i32
    %get3A = arith.constant 0 : index
    %get3A_1 = arith.constant 0 : index
    %get3A_2 = vector.load %arg3[%get3A, %get3A_1] : memref<512x256xf32, #tpu.memory_space<vmem>>, vector<512x256xf32>
    %convert_element_type3A = arith.truncf %get3A_2 : vector<512x256xf32> to vector<512x256xbf16>
    %get3A_3 = arith.constant 0 : index
    %get3A_4 = arith.constant 0 : index
    %get3A_5 = vector.load %arg5[%get3A_3, %get3A_4] : memref<1x512xf32, #tpu.memory_space<vmem>>, vector<1x512xf32>
    %iota3A = tpu.iota {dimensions = array<i32: 0>} : vector<8x512xi32>
    %mul3A_6 = arith.constant 4096 : i32
    %mul3A_7 = arith.muli %arg0, %mul3A_6 : i32
    %broadcast_in_dim3A = arith.constant 3.000000e+38 : f32
    %broadcast_in_dim3A_8 = vector.broadcast %broadcast_in_dim3A : f32 to vector<8x512xf32>
    %broadcast_in_dim3A_9 = arith.constant 0 : i32
    %broadcast_in_dim3A_10 = vector.broadcast %broadcast_in_dim3A_9 : i32 to vector<8x512xi32>
    %get3A_11 = arith.constant 0 : index
    %get3A_12 = arith.constant 0 : index
    %get3A_13 = vector.load %arg2[%get3A_11, %get3A_12] : memref<4096x256xf32, #tpu.memory_space<vmem>>, vector<64x256xf32>
    %convert_element_type3A_14 = arith.truncf %get3A_13 : vector<64x256xf32> to vector<64x256xbf16>
    %dot_general3A = arith.constant dense<0.000000e+00> : vector<64x512xf32>
    %dot_general3A_15 = tpu.matmul %convert_element_type3A_14, %convert_element_type3A, %dot_general3A {dimension_numbers = #tpu.dot_dimension_numbers<[1], [1], [0], [0], [0, 0, 1, 0], [], []>, transpose_lhs_hint = false} : vector<64x256xbf16>, vector<512x256xbf16>, vector<64x512xf32> -> vector<64x512xf32>
    %get3A_16 = arith.constant 0 : index
    %get3A_17 = arith.constant 0 : index
    %get3A_18 = vector.load %arg4[%get3A_16, %get3A_17] : memref<4096x1xf32, #tpu.memory_space<vmem>>, vector<64x1xf32>
    %add3A = vector.broadcast %get3A_5 : vector<1x512xf32> to vector<64x512xf32>
    %add3A_19 = vector.broadcast %get3A_18 : vector<64x1xf32> to vector<64x512xf32>
    %add3A_20 = arith.addf %add3A, %add3A_19 : vector<64x512xf32>
    %mul3A_21 = arith.constant 2.000000e+00 : f32
    %mul3A_22 = vector.broadcast %mul3A_21 : f32 to vector<64x512xf32>
    %mul3A_23 = arith.mulf %mul3A_22, %dot_general3A_15 : vector<64x512xf32>
    %sub3A = arith.subf %add3A_20, %mul3A_23 : vector<64x512xf32>
    %slice3A = vector.extract_strided_slice %sub3A {offsets = [0, 0], sizes = [8, 512], strides = [1, 1]} : vector<64x512xf32> to vector<8x512xf32>
    %add3A_24 = arith.constant 0 : i32
    %add3A_25 = arith.addi %mul3A_7, %add3A_24 : i32
    %add3A_26 = arith.constant 0 : i32
    %add3A_27 = arith.addi %add3A_25, %add3A_26 : i32
    %add3A_28 = vector.broadcast %add3A_27 : i32 to vector<8x512xi32>
    %add3A_29 = arith.addi %iota3A, %add3A_28 : vector<8x512xi32>
    %lt3A = arith.cmpf olt, %slice3A, %broadcast_in_dim3A_8 : vector<8x512xf32>
    %min3A = arith.minimumf %broadcast_in_dim3A_8, %slice3A : vector<8x512xf32>
    %select_n3A = arith.select %lt3A, %add3A_29, %broadcast_in_dim3A_10 : vector<8x512xi1>, vector<8x512xi32>
    %slice3A_30 = vector.extract_strided_slice %sub3A {offsets = [8, 0], sizes = [8, 512], strides = [1, 1]} : vector<64x512xf32> to vector<8x512xf32>
    %add3A_31 = arith.constant 0 : i32
    %add3A_32 = arith.addi %mul3A_7, %add3A_31 : i32
    %add3A_33 = arith.constant 8 : i32
    %add3A_34 = arith.addi %add3A_32, %add3A_33 : i32
    %add3A_35 = vector.broadcast %add3A_34 : i32 to vector<8x512xi32>
    %add3A_36 = arith.addi %iota3A, %add3A_35 : vector<8x512xi32>
    %lt3A_37 = arith.cmpf olt, %slice3A_30, %min3A : vector<8x512xf32>
    %min3A_38 = arith.minimumf %min3A, %slice3A_30 : vector<8x512xf32>
    %select_n3A_39 = arith.select %lt3A_37, %add3A_36, %select_n3A : vector<8x512xi1>, vector<8x512xi32>
    %slice3A_40 = vector.extract_strided_slice %sub3A {offsets = [16, 0], sizes = [8, 512], strides = [1, 1]} : vector<64x512xf32> to vector<8x512xf32>
    %add3A_41 = arith.constant 0 : i32
    %add3A_42 = arith.addi %mul3A_7, %add3A_41 : i32
    %add3A_43 = arith.constant 16 : i32
    %add3A_44 = arith.addi %add3A_42, %add3A_43 : i32
    %add3A_45 = vector.broadcast %add3A_44 : i32 to vector<8x512xi32>
    %add3A_46 = arith.addi %iota3A, %add3A_45 : vector<8x512xi32>
    %lt3A_47 = arith.cmpf olt, %slice3A_40, %min3A_38 : vector<8x512xf32>
    %min3A_48 = arith.minimumf %min3A_38, %slice3A_40 : vector<8x512xf32>
    %select_n3A_49 = arith.select %lt3A_47, %add3A_46, %select_n3A_39 : vector<8x512xi1>, vector<8x512xi32>
    %slice3A_50 = vector.extract_strided_slice %sub3A {offsets = [24, 0], sizes = [8, 512], strides = [1, 1]} : vector<64x512xf32> to vector<8x512xf32>
    %add3A_51 = arith.constant 0 : i32
    %add3A_52 = arith.addi %mul3A_7, %add3A_51 : i32
    %add3A_53 = arith.constant 24 : i32
    %add3A_54 = arith.addi %add3A_52, %add3A_53 : i32
    %add3A_55 = vector.broadcast %add3A_54 : i32 to vector<8x512xi32>
    %add3A_56 = arith.addi %iota3A, %add3A_55 : vector<8x512xi32>
    %lt3A_57 = arith.cmpf olt, %slice3A_50, %min3A_48 : vector<8x512xf32>
    %min3A_58 = arith.minimumf %min3A_48, %slice3A_50 : vector<8x512xf32>
    %select_n3A_59 = arith.select %lt3A_57, %add3A_56, %select_n3A_49 : vector<8x512xi1>, vector<8x512xi32>
    %slice3A_60 = vector.extract_strided_slice %sub3A {offsets = [32, 0], sizes = [8, 512], strides = [1, 1]} : vector<64x512xf32> to vector<8x512xf32>
    %add3A_61 = arith.constant 0 : i32
    %add3A_62 = arith.addi %mul3A_7, %add3A_61 : i32
    %add3A_63 = arith.constant 32 : i32
    %add3A_64 = arith.addi %add3A_62, %add3A_63 : i32
    %add3A_65 = vector.broadcast %add3A_64 : i32 to vector<8x512xi32>
    %add3A_66 = arith.addi %iota3A, %add3A_65 : vector<8x512xi32>
    %lt3A_67 = arith.cmpf olt, %slice3A_60, %min3A_58 : vector<8x512xf32>
    %min3A_68 = arith.minimumf %min3A_58, %slice3A_60 : vector<8x512xf32>
    %select_n3A_69 = arith.select %lt3A_67, %add3A_66, %select_n3A_59 : vector<8x512xi1>, vector<8x512xi32>
    %slice3A_70 = vector.extract_strided_slice %sub3A {offsets = [40, 0], sizes = [8, 512], strides = [1, 1]} : vector<64x512xf32> to vector<8x512xf32>
    %add3A_71 = arith.constant 0 : i32
    %add3A_72 = arith.addi %mul3A_7, %add3A_71 : i32
    %add3A_73 = arith.constant 40 : i32
    %add3A_74 = arith.addi %add3A_72, %add3A_73 : i32
    %add3A_75 = vector.broadcast %add3A_74 : i32 to vector<8x512xi32>
    %add3A_76 = arith.addi %iota3A, %add3A_75 : vector<8x512xi32>
    %lt3A_77 = arith.cmpf olt, %slice3A_70, %min3A_68 : vector<8x512xf32>
    %min3A_78 = arith.minimumf %min3A_68, %slice3A_70 : vector<8x512xf32>
    %select_n3A_79 = arith.select %lt3A_77, %add3A_76, %select_n3A_69 : vector<8x512xi1>, vector<8x512xi32>
    %slice3A_80 = vector.extract_strided_slice %sub3A {offsets = [48, 0], sizes = [8, 512], strides = [1, 1]} : vector<64x512xf32> to vector<8x512xf32>
    %add3A_81 = arith.constant 0 : i32
    %add3A_82 = arith.addi %mul3A_7, %add3A_81 : i32
    %add3A_83 = arith.constant 48 : i32
    %add3A_84 = arith.addi %add3A_82, %add3A_83 : i32
    %add3A_85 = vector.broadcast %add3A_84 : i32 to vector<8x512xi32>
    %add3A_86 = arith.addi %iota3A, %add3A_85 : vector<8x512xi32>
    %lt3A_87 = arith.cmpf olt, %slice3A_80, %min3A_78 : vector<8x512xf32>
    %min3A_88 = arith.minimumf %min3A_78, %slice3A_80 : vector<8x512xf32>
    %select_n3A_89 = arith.select %lt3A_87, %add3A_86, %select_n3A_79 : vector<8x512xi1>, vector<8x512xi32>
    %slice3A_90 = vector.extract_strided_slice %sub3A {offsets = [56, 0], sizes = [8, 512], strides = [1, 1]} : vector<64x512xf32> to vector<8x512xf32>
    %add3A_91 = arith.constant 0 : i32
    %add3A_92 = arith.addi %mul3A_7, %add3A_91 : i32
    %add3A_93 = arith.constant 56 : i32
    %add3A_94 = arith.addi %add3A_92, %add3A_93 : i32
    %add3A_95 = vector.broadcast %add3A_94 : i32 to vector<8x512xi32>
    %add3A_96 = arith.addi %iota3A, %add3A_95 : vector<8x512xi32>
    %lt3A_97 = arith.cmpf olt, %slice3A_90, %min3A_88 : vector<8x512xf32>
    %min3A_98 = arith.minimumf %min3A_88, %slice3A_90 : vector<8x512xf32>
    %select_n3A_99 = arith.select %lt3A_97, %add3A_96, %select_n3A_89 : vector<8x512xi1>, vector<8x512xi32>
    %get3A_100 = arith.constant 64 : index
    %get3A_101 = arith.constant 0 : index
    %get3A_102 = vector.load %arg2[%get3A_100, %get3A_101] : memref<4096x256xf32, #tpu.memory_space<vmem>>, vector<64x256xf32>
    %convert_element_type3A_103 = arith.truncf %get3A_102 : vector<64x256xf32> to vector<64x256xbf16>
    %dot_general3A_104 = arith.constant dense<0.000000e+00> : vector<64x512xf32>
    %dot_general3A_105 = tpu.matmul %convert_element_type3A_103, %convert_element_type3A, %dot_general3A_104 {dimension_numbers = #tpu.dot_dimension_numbers<[1], [1], [0], [0], [0, 0, 1, 0], [], []>, transpose_lhs_hint = false} : vector<64x256xbf16>, vector<512x256xbf16>, vector<64x512xf32> -> vector<64x512xf32>
    %scan3A = arith.constant 1 : i32
    %scan3A_106 = arith.constant 31 : i32
    %scan3A_107 = arith.addi %scan3A, %scan3A_106 : i32
    %scan3A_108 = arith.constant 1 : i32
    %scan3A_109:3 = scf.for %scan3A_222 = %scan3A to %scan3A_107 step %scan3A_108 iter_args(%scan3A_223 = %min3A_98, %scan3A_224 = %select_n3A_99, %scan3A_225 = %dot_general3A_105) -> (vector<8x512xf32>, vector<8x512xi32>, vector<64x512xf32>)  : i32 {
      %mul3A_226 = arith.constant 2 : i32
      %mul3A_227 = arith.muli %mul3A_226, %scan3A_222 : i32
      %mul3A_228 = arith.constant 64 : i32
      %mul3A_229 = arith.muli %mul3A_227, %mul3A_228 : i32
      %get3A_230 = arith.index_cast %mul3A_229 : i32 to index
      %get3A_231 = arith.constant 0 : index
      %get3A_232 = vector.load %arg2[%get3A_230, %get3A_231] : memref<4096x256xf32, #tpu.memory_space<vmem>>, vector<64x256xf32>
      %convert_element_type3A_233 = arith.truncf %get3A_232 : vector<64x256xf32> to vector<64x256xbf16>
      %dot_general3A_234 = arith.constant dense<0.000000e+00> : vector<64x512xf32>
      %dot_general3A_235 = tpu.matmul %convert_element_type3A_233, %convert_element_type3A, %dot_general3A_234 {dimension_numbers = #tpu.dot_dimension_numbers<[1], [1], [0], [0], [0, 0, 1, 0], [], []>, transpose_lhs_hint = false} : vector<64x256xbf16>, vector<512x256xbf16>, vector<64x512xf32> -> vector<64x512xf32>
      %mul3A_236 = arith.constant 2 : i32
      %mul3A_237 = arith.muli %mul3A_236, %scan3A_222 : i32
      %add3A_238 = arith.constant 1 : i32
      %add3A_239 = arith.addi %mul3A_237, %add3A_238 : i32
      %mul3A_240 = arith.constant 64 : i32
      %mul3A_241 = arith.muli %add3A_239, %mul3A_240 : i32
      %get3A_242 = arith.index_cast %mul3A_241 : i32 to index
      %get3A_243 = arith.constant 0 : index
      %get3A_244 = vector.load %arg2[%get3A_242, %get3A_243] : memref<4096x256xf32, #tpu.memory_space<vmem>>, vector<64x256xf32>
      %convert_element_type3A_245 = arith.truncf %get3A_244 : vector<64x256xf32> to vector<64x256xbf16>
      %dot_general3A_246 = arith.constant dense<0.000000e+00> : vector<64x512xf32>
      %dot_general3A_247 = tpu.matmul %convert_element_type3A_245, %convert_element_type3A, %dot_general3A_246 {dimension_numbers = #tpu.dot_dimension_numbers<[1], [1], [0], [0], [0, 0, 1, 0], [], []>, transpose_lhs_hint = false} : vector<64x256xbf16>, vector<512x256xbf16>, vector<64x512xf32> -> vector<64x512xf32>
      %mul3A_248 = arith.constant 2 : i32
      %mul3A_249 = arith.muli %mul3A_248, %scan3A_222 : i32
      %sub3A_250 = arith.constant 1 : i32
      %sub3A_251 = arith.subi %mul3A_249, %sub3A_250 : i32
      %mul3A_252 = arith.constant 64 : i32
      %mul3A_253 = arith.muli %sub3A_251, %mul3A_252 : i32
      %get3A_254 = arith.index_cast %mul3A_253 : i32 to index
      %get3A_255 = arith.constant 0 : index
      %get3A_256 = vector.load %arg4[%get3A_254, %get3A_255] : memref<4096x1xf32, #tpu.memory_space<vmem>>, vector<64x1xf32>
      %add3A_257 = vector.broadcast %get3A_5 : vector<1x512xf32> to vector<64x512xf32>
      %add3A_258 = vector.broadcast %get3A_256 : vector<64x1xf32> to vector<64x512xf32>
      %add3A_259 = arith.addf %add3A_257, %add3A_258 : vector<64x512xf32>
      %mul3A_260 = arith.constant 2.000000e+00 : f32
      %mul3A_261 = vector.broadcast %mul3A_260 : f32 to vector<64x512xf32>
      %mul3A_262 = arith.mulf %mul3A_261, %scan3A_225 : vector<64x512xf32>
      %sub3A_263 = arith.subf %add3A_259, %mul3A_262 : vector<64x512xf32>
      %slice3A_264 = vector.extract_strided_slice %sub3A_263 {offsets = [0, 0], sizes = [8, 512], strides = [1, 1]} : vector<64x512xf32> to vector<8x512xf32>
      %mul3A_265 = arith.constant 64 : i32
      %mul3A_266 = arith.muli %sub3A_251, %mul3A_265 : i32
      %add3A_267 = arith.addi %mul3A_7, %mul3A_266 : i32
      %add3A_268 = arith.constant 0 : i32
      %add3A_269 = arith.addi %add3A_267, %add3A_268 : i32
      %add3A_270 = vector.broadcast %add3A_269 : i32 to vector<8x512xi32>
      %add3A_271 = arith.addi %iota3A, %add3A_270 : vector<8x512xi32>
      %lt3A_272 = arith.cmpf olt, %slice3A_264, %scan3A_223 : vector<8x512xf32>
      %min3A_273 = arith.minimumf %scan3A_223, %slice3A_264 : vector<8x512xf32>
      %select_n3A_274 = arith.select %lt3A_272, %add3A_271, %scan3A_224 : vector<8x512xi1>, vector<8x512xi32>
      %slice3A_275 = vector.extract_strided_slice %sub3A_263 {offsets = [8, 0], sizes = [8, 512], strides = [1, 1]} : vector<64x512xf32> to vector<8x512xf32>
      %mul3A_276 = arith.constant 64 : i32
      %mul3A_277 = arith.muli %sub3A_251, %mul3A_276 : i32
      %add3A_278 = arith.addi %mul3A_7, %mul3A_277 : i32
      %add3A_279 = arith.constant 8 : i32
      %add3A_280 = arith.addi %add3A_278, %add3A_279 : i32
      %add3A_281 = vector.broadcast %add3A_280 : i32 to vector<8x512xi32>
      %add3A_282 = arith.addi %iota3A, %add3A_281 : vector<8x512xi32>
      %lt3A_283 = arith.cmpf olt, %slice3A_275, %min3A_273 : vector<8x512xf32>
      %min3A_284 = arith.minimumf %min3A_273, %slice3A_275 : vector<8x512xf32>
      %select_n3A_285 = arith.select %lt3A_283, %add3A_282, %select_n3A_274 : vector<8x512xi1>, vector<8x512xi32>
      %slice3A_286 = vector.extract_strided_slice %sub3A_263 {offsets = [16, 0], sizes = [8, 512], strides = [1, 1]} : vector<64x512xf32> to vector<8x512xf32>
      %mul3A_287 = arith.constant 64 : i32
      %mul3A_288 = arith.muli %sub3A_251, %mul3A_287 : i32
      %add3A_289 = arith.addi %mul3A_7, %mul3A_288 : i32
      %add3A_290 = arith.constant 16 : i32
      %add3A_291 = arith.addi %add3A_289, %add3A_290 : i32
      %add3A_292 = vector.broadcast %add3A_291 : i32 to vector<8x512xi32>
      %add3A_293 = arith.addi %iota3A, %add3A_292 : vector<8x512xi32>
      %lt3A_294 = arith.cmpf olt, %slice3A_286, %min3A_284 : vector<8x512xf32>
      %min3A_295 = arith.minimumf %min3A_284, %slice3A_286 : vector<8x512xf32>
      %select_n3A_296 = arith.select %lt3A_294, %add3A_293, %select_n3A_285 : vector<8x512xi1>, vector<8x512xi32>
      %slice3A_297 = vector.extract_strided_slice %sub3A_263 {offsets = [24, 0], sizes = [8, 512], strides = [1, 1]} : vector<64x512xf32> to vector<8x512xf32>
      %mul3A_298 = arith.constant 64 : i32
      %mul3A_299 = arith.muli %sub3A_251, %mul3A_298 : i32
      %add3A_300 = arith.addi %mul3A_7, %mul3A_299 : i32
      %add3A_301 = arith.constant 24 : i32
      %add3A_302 = arith.addi %add3A_300, %add3A_301 : i32
      %add3A_303 = vector.broadcast %add3A_302 : i32 to vector<8x512xi32>
      %add3A_304 = arith.addi %iota3A, %add3A_303 : vector<8x512xi32>
      %lt3A_305 = arith.cmpf olt, %slice3A_297, %min3A_295 : vector<8x512xf32>
      %min3A_306 = arith.minimumf %min3A_295, %slice3A_297 : vector<8x512xf32>
      %select_n3A_307 = arith.select %lt3A_305, %add3A_304, %select_n3A_296 : vector<8x512xi1>, vector<8x512xi32>
      %slice3A_308 = vector.extract_strided_slice %sub3A_263 {offsets = [32, 0], sizes = [8, 512], strides = [1, 1]} : vector<64x512xf32> to vector<8x512xf32>
      %mul3A_309 = arith.constant 64 : i32
      %mul3A_310 = arith.muli %sub3A_251, %mul3A_309 : i32
      %add3A_311 = arith.addi %mul3A_7, %mul3A_310 : i32
      %add3A_312 = arith.constant 32 : i32
      %add3A_313 = arith.addi %add3A_311, %add3A_312 : i32
      %add3A_314 = vector.broadcast %add3A_313 : i32 to vector<8x512xi32>
      %add3A_315 = arith.addi %iota3A, %add3A_314 : vector<8x512xi32>
      %lt3A_316 = arith.cmpf olt, %slice3A_308, %min3A_306 : vector<8x512xf32>
      %min3A_317 = arith.minimumf %min3A_306, %slice3A_308 : vector<8x512xf32>
      %select_n3A_318 = arith.select %lt3A_316, %add3A_315, %select_n3A_307 : vector<8x512xi1>, vector<8x512xi32>
      %slice3A_319 = vector.extract_strided_slice %sub3A_263 {offsets = [40, 0], sizes = [8, 512], strides = [1, 1]} : vector<64x512xf32> to vector<8x512xf32>
      %mul3A_320 = arith.constant 64 : i32
      %mul3A_321 = arith.muli %sub3A_251, %mul3A_320 : i32
      %add3A_322 = arith.addi %mul3A_7, %mul3A_321 : i32
      %add3A_323 = arith.constant 40 : i32
      %add3A_324 = arith.addi %add3A_322, %add3A_323 : i32
      %add3A_325 = vector.broadcast %add3A_324 : i32 to vector<8x512xi32>
      %add3A_326 = arith.addi %iota3A, %add3A_325 : vector<8x512xi32>
      %lt3A_327 = arith.cmpf olt, %slice3A_319, %min3A_317 : vector<8x512xf32>
      %min3A_328 = arith.minimumf %min3A_317, %slice3A_319 : vector<8x512xf32>
      %select_n3A_329 = arith.select %lt3A_327, %add3A_326, %select_n3A_318 : vector<8x512xi1>, vector<8x512xi32>
      %slice3A_330 = vector.extract_strided_slice %sub3A_263 {offsets = [48, 0], sizes = [8, 512], strides = [1, 1]} : vector<64x512xf32> to vector<8x512xf32>
      %mul3A_331 = arith.constant 64 : i32
      %mul3A_332 = arith.muli %sub3A_251, %mul3A_331 : i32
      %add3A_333 = arith.addi %mul3A_7, %mul3A_332 : i32
      %add3A_334 = arith.constant 48 : i32
      %add3A_335 = arith.addi %add3A_333, %add3A_334 : i32
      %add3A_336 = vector.broadcast %add3A_335 : i32 to vector<8x512xi32>
      %add3A_337 = arith.addi %iota3A, %add3A_336 : vector<8x512xi32>
      %lt3A_338 = arith.cmpf olt, %slice3A_330, %min3A_328 : vector<8x512xf32>
      %min3A_339 = arith.minimumf %min3A_328, %slice3A_330 : vector<8x512xf32>
      %select_n3A_340 = arith.select %lt3A_338, %add3A_337, %select_n3A_329 : vector<8x512xi1>, vector<8x512xi32>
      %slice3A_341 = vector.extract_strided_slice %sub3A_263 {offsets = [56, 0], sizes = [8, 512], strides = [1, 1]} : vector<64x512xf32> to vector<8x512xf32>
      %mul3A_342 = arith.constant 64 : i32
      %mul3A_343 = arith.muli %sub3A_251, %mul3A_342 : i32
      %add3A_344 = arith.addi %mul3A_7, %mul3A_343 : i32
      %add3A_345 = arith.constant 56 : i32
      %add3A_346 = arith.addi %add3A_344, %add3A_345 : i32
      %add3A_347 = vector.broadcast %add3A_346 : i32 to vector<8x512xi32>
      %add3A_348 = arith.addi %iota3A, %add3A_347 : vector<8x512xi32>
      %lt3A_349 = arith.cmpf olt, %slice3A_341, %min3A_339 : vector<8x512xf32>
      %min3A_350 = arith.minimumf %min3A_339, %slice3A_341 : vector<8x512xf32>
      %select_n3A_351 = arith.select %lt3A_349, %add3A_348, %select_n3A_340 : vector<8x512xi1>, vector<8x512xi32>
      %mul3A_352 = arith.constant 2 : i32
      %mul3A_353 = arith.muli %mul3A_352, %scan3A_222 : i32
      %mul3A_354 = arith.constant 64 : i32
      %mul3A_355 = arith.muli %mul3A_353, %mul3A_354 : i32
      %get3A_356 = arith.index_cast %mul3A_355 : i32 to index
      %get3A_357 = arith.constant 0 : index
      %get3A_358 = vector.load %arg4[%get3A_356, %get3A_357] : memref<4096x1xf32, #tpu.memory_space<vmem>>, vector<64x1xf32>
      %add3A_359 = vector.broadcast %get3A_5 : vector<1x512xf32> to vector<64x512xf32>
      %add3A_360 = vector.broadcast %get3A_358 : vector<64x1xf32> to vector<64x512xf32>
      %add3A_361 = arith.addf %add3A_359, %add3A_360 : vector<64x512xf32>
      %mul3A_362 = arith.constant 2.000000e+00 : f32
      %mul3A_363 = vector.broadcast %mul3A_362 : f32 to vector<64x512xf32>
      %mul3A_364 = arith.mulf %mul3A_363, %dot_general3A_235 : vector<64x512xf32>
      %sub3A_365 = arith.subf %add3A_361, %mul3A_364 : vector<64x512xf32>
      %slice3A_366 = vector.extract_strided_slice %sub3A_365 {offsets = [0, 0], sizes = [8, 512], strides = [1, 1]} : vector<64x512xf32> to vector<8x512xf32>
      %mul3A_367 = arith.constant 64 : i32
      %mul3A_368 = arith.muli %mul3A_353, %mul3A_367 : i32
      %add3A_369 = arith.addi %mul3A_7, %mul3A_368 : i32
      %add3A_370 = arith.constant 0 : i32
      %add3A_371 = arith.addi %add3A_369, %add3A_370 : i32
      %add3A_372 = vector.broadcast %add3A_371 : i32 to vector<8x512xi32>
      %add3A_373 = arith.addi %iota3A, %add3A_372 : vector<8x512xi32>
      %lt3A_374 = arith.cmpf olt, %slice3A_366, %min3A_350 : vector<8x512xf32>
      %min3A_375 = arith.minimumf %min3A_350, %slice3A_366 : vector<8x512xf32>
      %select_n3A_376 = arith.select %lt3A_374, %add3A_373, %select_n3A_351 : vector<8x512xi1>, vector<8x512xi32>
      %slice3A_377 = vector.extract_strided_slice %sub3A_365 {offsets = [8, 0], sizes = [8, 512], strides = [1, 1]} : vector<64x512xf32> to vector<8x512xf32>
      %mul3A_378 = arith.constant 64 : i32
      %mul3A_379 = arith.muli %mul3A_353, %mul3A_378 : i32
      %add3A_380 = arith.addi %mul3A_7, %mul3A_379 : i32
      %add3A_381 = arith.constant 8 : i32
      %add3A_382 = arith.addi %add3A_380, %add3A_381 : i32
      %add3A_383 = vector.broadcast %add3A_382 : i32 to vector<8x512xi32>
      %add3A_384 = arith.addi %iota3A, %add3A_383 : vector<8x512xi32>
      %lt3A_385 = arith.cmpf olt, %slice3A_377, %min3A_375 : vector<8x512xf32>
      %min3A_386 = arith.minimumf %min3A_375, %slice3A_377 : vector<8x512xf32>
      %select_n3A_387 = arith.select %lt3A_385, %add3A_384, %select_n3A_376 : vector<8x512xi1>, vector<8x512xi32>
      %slice3A_388 = vector.extract_strided_slice %sub3A_365 {offsets = [16, 0], sizes = [8, 512], strides = [1, 1]} : vector<64x512xf32> to vector<8x512xf32>
      %mul3A_389 = arith.constant 64 : i32
      %mul3A_390 = arith.muli %mul3A_353, %mul3A_389 : i32
      %add3A_391 = arith.addi %mul3A_7, %mul3A_390 : i32
      %add3A_392 = arith.constant 16 : i32
      %add3A_393 = arith.addi %add3A_391, %add3A_392 : i32
      %add3A_394 = vector.broadcast %add3A_393 : i32 to vector<8x512xi32>
      %add3A_395 = arith.addi %iota3A, %add3A_394 : vector<8x512xi32>
      %lt3A_396 = arith.cmpf olt, %slice3A_388, %min3A_386 : vector<8x512xf32>
      %min3A_397 = arith.minimumf %min3A_386, %slice3A_388 : vector<8x512xf32>
      %select_n3A_398 = arith.select %lt3A_396, %add3A_395, %select_n3A_387 : vector<8x512xi1>, vector<8x512xi32>
      %slice3A_399 = vector.extract_strided_slice %sub3A_365 {offsets = [24, 0], sizes = [8, 512], strides = [1, 1]} : vector<64x512xf32> to vector<8x512xf32>
      %mul3A_400 = arith.constant 64 : i32
      %mul3A_401 = arith.muli %mul3A_353, %mul3A_400 : i32
      %add3A_402 = arith.addi %mul3A_7, %mul3A_401 : i32
      %add3A_403 = arith.constant 24 : i32
      %add3A_404 = arith.addi %add3A_402, %add3A_403 : i32
      %add3A_405 = vector.broadcast %add3A_404 : i32 to vector<8x512xi32>
      %add3A_406 = arith.addi %iota3A, %add3A_405 : vector<8x512xi32>
      %lt3A_407 = arith.cmpf olt, %slice3A_399, %min3A_397 : vector<8x512xf32>
      %min3A_408 = arith.minimumf %min3A_397, %slice3A_399 : vector<8x512xf32>
      %select_n3A_409 = arith.select %lt3A_407, %add3A_406, %select_n3A_398 : vector<8x512xi1>, vector<8x512xi32>
      %slice3A_410 = vector.extract_strided_slice %sub3A_365 {offsets = [32, 0], sizes = [8, 512], strides = [1, 1]} : vector<64x512xf32> to vector<8x512xf32>
      %mul3A_411 = arith.constant 64 : i32
      %mul3A_412 = arith.muli %mul3A_353, %mul3A_411 : i32
      %add3A_413 = arith.addi %mul3A_7, %mul3A_412 : i32
      %add3A_414 = arith.constant 32 : i32
      %add3A_415 = arith.addi %add3A_413, %add3A_414 : i32
      %add3A_416 = vector.broadcast %add3A_415 : i32 to vector<8x512xi32>
      %add3A_417 = arith.addi %iota3A, %add3A_416 : vector<8x512xi32>
      %lt3A_418 = arith.cmpf olt, %slice3A_410, %min3A_408 : vector<8x512xf32>
      %min3A_419 = arith.minimumf %min3A_408, %slice3A_410 : vector<8x512xf32>
      %select_n3A_420 = arith.select %lt3A_418, %add3A_417, %select_n3A_409 : vector<8x512xi1>, vector<8x512xi32>
      %slice3A_421 = vector.extract_strided_slice %sub3A_365 {offsets = [40, 0], sizes = [8, 512], strides = [1, 1]} : vector<64x512xf32> to vector<8x512xf32>
      %mul3A_422 = arith.constant 64 : i32
      %mul3A_423 = arith.muli %mul3A_353, %mul3A_422 : i32
      %add3A_424 = arith.addi %mul3A_7, %mul3A_423 : i32
      %add3A_425 = arith.constant 40 : i32
      %add3A_426 = arith.addi %add3A_424, %add3A_425 : i32
      %add3A_427 = vector.broadcast %add3A_426 : i32 to vector<8x512xi32>
      %add3A_428 = arith.addi %iota3A, %add3A_427 : vector<8x512xi32>
      %lt3A_429 = arith.cmpf olt, %slice3A_421, %min3A_419 : vector<8x512xf32>
      %min3A_430 = arith.minimumf %min3A_419, %slice3A_421 : vector<8x512xf32>
      %select_n3A_431 = arith.select %lt3A_429, %add3A_428, %select_n3A_420 : vector<8x512xi1>, vector<8x512xi32>
      %slice3A_432 = vector.extract_strided_slice %sub3A_365 {offsets = [48, 0], sizes = [8, 512], strides = [1, 1]} : vector<64x512xf32> to vector<8x512xf32>
      %mul3A_433 = arith.constant 64 : i32
      %mul3A_434 = arith.muli %mul3A_353, %mul3A_433 : i32
      %add3A_435 = arith.addi %mul3A_7, %mul3A_434 : i32
      %add3A_436 = arith.constant 48 : i32
      %add3A_437 = arith.addi %add3A_435, %add3A_436 : i32
      %add3A_438 = vector.broadcast %add3A_437 : i32 to vector<8x512xi32>
      %add3A_439 = arith.addi %iota3A, %add3A_438 : vector<8x512xi32>
      %lt3A_440 = arith.cmpf olt, %slice3A_432, %min3A_430 : vector<8x512xf32>
      %min3A_441 = arith.minimumf %min3A_430, %slice3A_432 : vector<8x512xf32>
      %select_n3A_442 = arith.select %lt3A_440, %add3A_439, %select_n3A_431 : vector<8x512xi1>, vector<8x512xi32>
      %slice3A_443 = vector.extract_strided_slice %sub3A_365 {offsets = [56, 0], sizes = [8, 512], strides = [1, 1]} : vector<64x512xf32> to vector<8x512xf32>
      %mul3A_444 = arith.constant 64 : i32
      %mul3A_445 = arith.muli %mul3A_353, %mul3A_444 : i32
      %add3A_446 = arith.addi %mul3A_7, %mul3A_445 : i32
      %add3A_447 = arith.constant 56 : i32
      %add3A_448 = arith.addi %add3A_446, %add3A_447 : i32
      %add3A_449 = vector.broadcast %add3A_448 : i32 to vector<8x512xi32>
      %add3A_450 = arith.addi %iota3A, %add3A_449 : vector<8x512xi32>
      %lt3A_451 = arith.cmpf olt, %slice3A_443, %min3A_441 : vector<8x512xf32>
      %min3A_452 = arith.minimumf %min3A_441, %slice3A_443 : vector<8x512xf32>
      %select_n3A_453 = arith.select %lt3A_451, %add3A_450, %select_n3A_442 : vector<8x512xi1>, vector<8x512xi32>
      scf.yield %min3A_452, %select_n3A_453, %dot_general3A_247 : vector<8x512xf32>, vector<8x512xi32>, vector<64x512xf32>
    }
    %scan3A_110 = arith.constant 31 : i32
    %get3A_111 = arith.constant 4032 : index
    %get3A_112 = arith.constant 0 : index
    %get3A_113 = vector.load %arg4[%get3A_111, %get3A_112] : memref<4096x1xf32, #tpu.memory_space<vmem>>, vector<64x1xf32>
    %add3A_114 = vector.broadcast %get3A_5 : vector<1x512xf32> to vector<64x512xf32>
    %add3A_115 = vector.broadcast %get3A_113 : vector<64x1xf32> to vector<64x512xf32>
    %add3A_116 = arith.addf %add3A_114, %add3A_115 : vector<64x512xf32>
    %mul3A_117 = arith.constant 2.000000e+00 : f32
    %mul3A_118 = vector.broadcast %mul3A_117 : f32 to vector<64x512xf32>
    %mul3A_119 = arith.mulf %mul3A_118, %scan3A_109#2 : vector<64x512xf32>
    %sub3A_120 = arith.subf %add3A_116, %mul3A_119 : vector<64x512xf32>
    %slice3A_121 = vector.extract_strided_slice %sub3A_120 {offsets = [0, 0], sizes = [8, 512], strides = [1, 1]} : vector<64x512xf32> to vector<8x512xf32>
    %add3A_122 = arith.constant 4032 : i32
    %add3A_123 = arith.addi %mul3A_7, %add3A_122 : i32
    %add3A_124 = arith.constant 0 : i32
    %add3A_125 = arith.addi %add3A_123, %add3A_124 : i32
    %add3A_126 = vector.broadcast %add3A_125 : i32 to vector<8x512xi32>
    %add3A_127 = arith.addi %iota3A, %add3A_126 : vector<8x512xi32>
    %lt3A_128 = arith.cmpf olt, %slice3A_121, %scan3A_109#0 : vector<8x512xf32>
    %min3A_129 = arith.minimumf %scan3A_109#0, %slice3A_121 : vector<8x512xf32>
    %select_n3A_130 = arith.select %lt3A_128, %add3A_127, %scan3A_109#1 : vector<8x512xi1>, vector<8x512xi32>
    %slice3A_131 = vector.extract_strided_slice %sub3A_120 {offsets = [8, 0], sizes = [8, 512], strides = [1, 1]} : vector<64x512xf32> to vector<8x512xf32>
    %add3A_132 = arith.constant 4032 : i32
    %add3A_133 = arith.addi %mul3A_7, %add3A_132 : i32
    %add3A_134 = arith.constant 8 : i32
    %add3A_135 = arith.addi %add3A_133, %add3A_134 : i32
    %add3A_136 = vector.broadcast %add3A_135 : i32 to vector<8x512xi32>
    %add3A_137 = arith.addi %iota3A, %add3A_136 : vector<8x512xi32>
    %lt3A_138 = arith.cmpf olt, %slice3A_131, %min3A_129 : vector<8x512xf32>
    %min3A_139 = arith.minimumf %min3A_129, %slice3A_131 : vector<8x512xf32>
    %select_n3A_140 = arith.select %lt3A_138, %add3A_137, %select_n3A_130 : vector<8x512xi1>, vector<8x512xi32>
    %slice3A_141 = vector.extract_strided_slice %sub3A_120 {offsets = [16, 0], sizes = [8, 512], strides = [1, 1]} : vector<64x512xf32> to vector<8x512xf32>
    %add3A_142 = arith.constant 4032 : i32
    %add3A_143 = arith.addi %mul3A_7, %add3A_142 : i32
    %add3A_144 = arith.constant 16 : i32
    %add3A_145 = arith.addi %add3A_143, %add3A_144 : i32
    %add3A_146 = vector.broadcast %add3A_145 : i32 to vector<8x512xi32>
    %add3A_147 = arith.addi %iota3A, %add3A_146 : vector<8x512xi32>
    %lt3A_148 = arith.cmpf olt, %slice3A_141, %min3A_139 : vector<8x512xf32>
    %min3A_149 = arith.minimumf %min3A_139, %slice3A_141 : vector<8x512xf32>
    %select_n3A_150 = arith.select %lt3A_148, %add3A_147, %select_n3A_140 : vector<8x512xi1>, vector<8x512xi32>
    %slice3A_151 = vector.extract_strided_slice %sub3A_120 {offsets = [24, 0], sizes = [8, 512], strides = [1, 1]} : vector<64x512xf32> to vector<8x512xf32>
    %add3A_152 = arith.constant 4032 : i32
    %add3A_153 = arith.addi %mul3A_7, %add3A_152 : i32
    %add3A_154 = arith.constant 24 : i32
    %add3A_155 = arith.addi %add3A_153, %add3A_154 : i32
    %add3A_156 = vector.broadcast %add3A_155 : i32 to vector<8x512xi32>
    %add3A_157 = arith.addi %iota3A, %add3A_156 : vector<8x512xi32>
    %lt3A_158 = arith.cmpf olt, %slice3A_151, %min3A_149 : vector<8x512xf32>
    %min3A_159 = arith.minimumf %min3A_149, %slice3A_151 : vector<8x512xf32>
    %select_n3A_160 = arith.select %lt3A_158, %add3A_157, %select_n3A_150 : vector<8x512xi1>, vector<8x512xi32>
    %slice3A_161 = vector.extract_strided_slice %sub3A_120 {offsets = [32, 0], sizes = [8, 512], strides = [1, 1]} : vector<64x512xf32> to vector<8x512xf32>
    %add3A_162 = arith.constant 4032 : i32
    %add3A_163 = arith.addi %mul3A_7, %add3A_162 : i32
    %add3A_164 = arith.constant 32 : i32
    %add3A_165 = arith.addi %add3A_163, %add3A_164 : i32
    %add3A_166 = vector.broadcast %add3A_165 : i32 to vector<8x512xi32>
    %add3A_167 = arith.addi %iota3A, %add3A_166 : vector<8x512xi32>
    %lt3A_168 = arith.cmpf olt, %slice3A_161, %min3A_159 : vector<8x512xf32>
    %min3A_169 = arith.minimumf %min3A_159, %slice3A_161 : vector<8x512xf32>
    %select_n3A_170 = arith.select %lt3A_168, %add3A_167, %select_n3A_160 : vector<8x512xi1>, vector<8x512xi32>
    %slice3A_171 = vector.extract_strided_slice %sub3A_120 {offsets = [40, 0], sizes = [8, 512], strides = [1, 1]} : vector<64x512xf32> to vector<8x512xf32>
    %add3A_172 = arith.constant 4032 : i32
    %add3A_173 = arith.addi %mul3A_7, %add3A_172 : i32
    %add3A_174 = arith.constant 40 : i32
    %add3A_175 = arith.addi %add3A_173, %add3A_174 : i32
    %add3A_176 = vector.broadcast %add3A_175 : i32 to vector<8x512xi32>
    %add3A_177 = arith.addi %iota3A, %add3A_176 : vector<8x512xi32>
    %lt3A_178 = arith.cmpf olt, %slice3A_171, %min3A_169 : vector<8x512xf32>
    %min3A_179 = arith.minimumf %min3A_169, %slice3A_171 : vector<8x512xf32>
    %select_n3A_180 = arith.select %lt3A_178, %add3A_177, %select_n3A_170 : vector<8x512xi1>, vector<8x512xi32>
    %slice3A_181 = vector.extract_strided_slice %sub3A_120 {offsets = [48, 0], sizes = [8, 512], strides = [1, 1]} : vector<64x512xf32> to vector<8x512xf32>
    %add3A_182 = arith.constant 4032 : i32
    %add3A_183 = arith.addi %mul3A_7, %add3A_182 : i32
    %add3A_184 = arith.constant 48 : i32
    %add3A_185 = arith.addi %add3A_183, %add3A_184 : i32
    %add3A_186 = vector.broadcast %add3A_185 : i32 to vector<8x512xi32>
    %add3A_187 = arith.addi %iota3A, %add3A_186 : vector<8x512xi32>
    %lt3A_188 = arith.cmpf olt, %slice3A_181, %min3A_179 : vector<8x512xf32>
    %min3A_189 = arith.minimumf %min3A_179, %slice3A_181 : vector<8x512xf32>
    %select_n3A_190 = arith.select %lt3A_188, %add3A_187, %select_n3A_180 : vector<8x512xi1>, vector<8x512xi32>
    %slice3A_191 = vector.extract_strided_slice %sub3A_120 {offsets = [56, 0], sizes = [8, 512], strides = [1, 1]} : vector<64x512xf32> to vector<8x512xf32>
    %add3A_192 = arith.constant 4032 : i32
    %add3A_193 = arith.addi %mul3A_7, %add3A_192 : i32
    %add3A_194 = arith.constant 56 : i32
    %add3A_195 = arith.addi %add3A_193, %add3A_194 : i32
    %add3A_196 = vector.broadcast %add3A_195 : i32 to vector<8x512xi32>
    %add3A_197 = arith.addi %iota3A, %add3A_196 : vector<8x512xi32>
    %lt3A_198 = arith.cmpf olt, %slice3A_191, %min3A_189 : vector<8x512xf32>
    %min3A_199 = arith.minimumf %min3A_189, %slice3A_191 : vector<8x512xf32>
    %select_n3A_200 = arith.select %lt3A_198, %add3A_197, %select_n3A_190 : vector<8x512xi1>, vector<8x512xi32>
    %reduce_min3A = arith.constant dense<0x7F800000> : vector<512xf32>
    %reduce_min3A_201 = vector.multi_reduction <minimumf>, %min3A_199, %reduce_min3A [0] : vector<8x512xf32> to vector<512xf32>
    %broadcast_in_dim3A_202 = vector.shape_cast %reduce_min3A_201 : vector<512xf32> to vector<1x512xf32>
    %eq3A = vector.broadcast %broadcast_in_dim3A_202 : vector<1x512xf32> to vector<8x512xf32>
    %eq3A_203 = arith.cmpf oeq, %min3A_199, %eq3A : vector<8x512xf32>
    %jit3A = arith.constant 8192 : i32
    %broadcast_in_dim3A_204 = vector.broadcast %jit3A : i32 to vector<8x512xi32>
    %select_n3A_205 = arith.select %eq3A_203, %select_n3A_200, %broadcast_in_dim3A_204 : vector<8x512xi1>, vector<8x512xi32>
    %reduce_min3A_206 = arith.constant dense<2147483647> : vector<512xi32>
    %reduce_min3A_207 = vector.multi_reduction <minsi>, %select_n3A_205, %reduce_min3A_206 [0] : vector<8x512xi32> to vector<512xi32>
    %broadcast_in_dim3A_208 = vector.shape_cast %reduce_min3A_207 : vector<512xi32> to vector<1x512xi32>
    %eq3A_209 = arith.constant 0 : i32
    %eq3A_210 = arith.cmpi eq, %arg0, %eq3A_209 : i32
    %convert_element_type3A_211 = arith.extui %eq3A_210 : i1 to i32
    %cond3A = arith.constant 0 : i32
    %cond3A_212 = arith.cmpi ne, %convert_element_type3A_211, %cond3A : i32
    scf.if %cond3A_212 {
      %swap3A = arith.constant 0 : index
      %swap3A_222 = arith.index_cast %mul3A_0 : i32 to index
      %swap3A_223 = vector.load %arg7[%swap3A, %swap3A_222] : memref<1x8192xf32, #tpu.memory_space<vmem>>, vector<1x512xf32>
      tpu.vector_store %arg7[%swap3A, %swap3A_222], %broadcast_in_dim3A_202 {strides = array<i32>} : memref<1x8192xf32, #tpu.memory_space<vmem>>, vector<1x512xf32>,
      %swap3A_224 = arith.constant 0 : index
      %swap3A_225 = arith.index_cast %mul3A_0 : i32 to index
      %swap3A_226 = vector.load %arg8[%swap3A_224, %swap3A_225] : memref<1x8192xi32, #tpu.memory_space<vmem>>, vector<1x512xi32>
      tpu.vector_store %arg8[%swap3A_224, %swap3A_225], %broadcast_in_dim3A_208 {strides = array<i32>} : memref<1x8192xi32, #tpu.memory_space<vmem>>, vector<1x512xi32>,
    } else {
    }
    %gt3A = arith.constant 0 : i32
    %gt3A_213 = arith.cmpi sgt, %arg0, %gt3A : i32
    %convert_element_type3A_214 = arith.extui %gt3A_213 : i1 to i32
    %cond3A_215 = arith.constant 0 : i32
    %cond3A_216 = arith.cmpi ne, %convert_element_type3A_214, %cond3A_215 : i32
    scf.if %cond3A_216 {
      %get3A_222 = arith.constant 0 : index
      %get3A_223 = arith.index_cast %mul3A_0 : i32 to index
      %get3A_224 = vector.load %arg7[%get3A_222, %get3A_223] : memref<1x8192xf32, #tpu.memory_space<vmem>>, vector<1x512xf32>
      %convert_element_type3A_225 = arith.truncf %get3A_224 : vector<1x512xf32> to vector<1x512xbf16>
      %convert_element_type3A_226 = arith.extf %convert_element_type3A_225 : vector<1x512xbf16> to vector<1x512xf32>
      %lt3A_227 = arith.cmpf olt, %broadcast_in_dim3A_202, %convert_element_type3A_226 : vector<1x512xf32>
      %select_n3A_228 = arith.select %lt3A_227, %broadcast_in_dim3A_202, %convert_element_type3A_226 : vector<1x512xi1>, vector<1x512xf32>
      %swap3A = arith.constant 0 : index
      %swap3A_229 = arith.index_cast %mul3A_0 : i32 to index
      %swap3A_230 = vector.load %arg7[%swap3A, %swap3A_229] : memref<1x8192xf32, #tpu.memory_space<vmem>>, vector<1x512xf32>
      tpu.vector_store %arg7[%swap3A, %swap3A_229], %select_n3A_228 {strides = array<i32>} : memref<1x8192xf32, #tpu.memory_space<vmem>>, vector<1x512xf32>,
      %get3A_231 = arith.constant 0 : index
      %get3A_232 = arith.index_cast %mul3A_0 : i32 to index
      %get3A_233 = vector.load %arg8[%get3A_231, %get3A_232] : memref<1x8192xi32, #tpu.memory_space<vmem>>, vector<1x512xi32>
      %select_n3A_234 = arith.select %lt3A_227, %broadcast_in_dim3A_208, %get3A_233 : vector<1x512xi1>, vector<1x512xi32>
      %swap3A_235 = arith.constant 0 : index
      %swap3A_236 = arith.index_cast %mul3A_0 : i32 to index
      %swap3A_237 = vector.load %arg8[%swap3A_235, %swap3A_236] : memref<1x8192xi32, #tpu.memory_space<vmem>>, vector<1x512xi32>
      tpu.vector_store %arg8[%swap3A_235, %swap3A_236], %select_n3A_234 {strides = array<i32>} : memref<1x8192xi32, #tpu.memory_space<vmem>>, vector<1x512xi32>,
    } else {
    }
    %eq3A_217 = arith.constant 1 : i32
    %eq3A_218 = arith.cmpi eq, %arg0, %eq3A_217 : i32
    %convert_element_type3A_219 = arith.extui %eq3A_218 : i1 to i32
    %cond3A_220 = arith.constant 0 : i32
    %cond3A_221 = arith.cmpi ne, %convert_element_type3A_219, %cond3A_220 : i32
    scf.if %cond3A_221 {
      %get3A_222 = arith.constant 0 : index
      %get3A_223 = arith.index_cast %mul3A_0 : i32 to index
      %get3A_224 = vector.load %arg8[%get3A_222, %get3A_223] : memref<1x8192xi32, #tpu.memory_space<vmem>>, vector<1x512xi32>
      %broadcast_in_dim3A_225 = vector.shape_cast %get3A_224 : vector<1x512xi32> to vector<1x1x512xi32>
      %swap3A = arith.constant 0 : index
      %swap3A_226 = arith.constant 0 : index
      %swap3A_227 = arith.constant 0 : index
      %swap3A_228 = vector.load %arg6[%swap3A, %swap3A_226, %swap3A_227] : memref<1x1x512xi32, #tpu.memory_space<vmem>>, vector<1x1x512xi32>
      tpu.vector_store %arg6[%swap3A, %swap3A_226, %swap3A_227], %broadcast_in_dim3A_225 {strides = array<i32>} : memref<1x1x512xi32, #tpu.memory_space<vmem>>, vector<1x1x512xi32>,
    } else {
    }
    return
  }
  func.func @transform_0(%arg0: i32, %arg1: i32) -> (i32, i32) {
    %c0_i32 = arith.constant 0 : i32
    %c0_i32_0 = arith.constant 0 : i32
    return %arg0, %c0_i32 : i32, i32
  }
  func.func @transform_1(%arg0: i32, %arg1: i32) -> (i32, i32) {
    %c0_i32 = arith.constant 0 : i32
    %c0_i32_0 = arith.constant 0 : i32
    return %arg1, %c0_i32 : i32, i32
  }
  func.func @transform_2(%arg0: i32, %arg1: i32) -> (i32, i32) {
    %c0_i32 = arith.constant 0 : i32
    %c0_i32_0 = arith.constant 0 : i32
    return %arg0, %c0_i32 : i32, i32
  }
  func.func @transform_3(%arg0: i32, %arg1: i32) -> (i32, i32) {
    %c0_i32 = arith.constant 0 : i32
    %c0_i32_0 = arith.constant 0 : i32
    return %c0_i32, %arg1 : i32, i32
  }
  func.func @transform_4(%arg0: i32, %arg1: i32) -> (i32, i32, i32) {
    %c0_i32 = arith.constant 0 : i32
    %c0_i32_0 = arith.constant 0 : i32
    %c0_i32_1 = arith.constant 0 : i32
    return %arg1, %c0_i32, %c0_i32_0 : i32, i32, i32
  }
}

</mosaic_0001>

<sc_bundles>
// kernel: gather_offload_async_start.1
scs
__scs_entry_jumppad:
0x0: {  	(pc) =	sbr.rel $0x88, $3  }
0x1: {  	(tag) =	ssettag $0x0;
	lr =	simm.s32 $0x1  }
0x2: {  	[smem:$0x3F9F] =	sst lr;
	_ =	strace $0xD0000000  }
0x3: {  	_ = 	snop  }
0x4: {  	_ = 	snop  }
0x5: {  	_ = 	snop  }
0x6: {  	_ = 	snop  }
0x7: {  	_ = 	snop  }
__scs_overlays_trampoline_lowered:
0x8: {  	[smem:$0x3FAE] =	sst s0  }
0x9: {  	[smem:$0x3FAF] =	sst s1  }
0xa: {  	[smem:$0x3FB0] =	sst s2  }
0xb: {  	[smem:$0x3FB1] =	sst s3  }
0xc: {  	[smem:$0x3FB2] =	sst s4  }
0xd: {  	[smem:$0x3FB3] =	sst s5  }
0xe: {  	[smem:$0x3FB4] =	sst s6  }
0xf: {  	[smem:$0x3FB5] =	sst s7  }
0x10: {  	[smem:$0x3FB6] =	sst s8  }
0x11: {  	[smem:$0x3FB7] =	sst s9;
	s0 =	simm.s32 @!p0 $0x0  }
0x12: {  	s1 =	sld [smem:$0x3F9D];
	s0 =	simm.s32 @p0 $0x1  }
0x13: {  	[smem:$0x3FB8] =	sst s0;
	s0 =	simm.s32 @!p1 $0x0  }
0x14: {  	s2 =	sld [smem:$0x3F9C];
	s0 =	simm.s32 @p1 $0x1  }
0x15: {  	[smem:$0x3FB9] =	sst s0;
	s0 =	simm.s32 @!p2 $0x0  }
0x16: {  	s3 =	sld [smem:$0x3FDB];
	s0 =	simm.s32 @p2 $0x1  }
0x17: {  	s4 =	simm.s32 $0x1BF5;
	[smem:$0x3FBB] =	sst s0  }
0x18: {  	s0 =	sld [smem:$0x3F9E];
	_ =	swait.ge [sflag:s4], $0x0  }
0x19: {  	s7 =	sld [smem:$0x3F9F]  }
0x1a: {  	s8 =	sadd.s32 $0xFFFFE003, lr  }
0x1b: {  	s9 =	sadd.s32 $0xFFFFFEF7, lr;
	s5 =	simm.s32 $0xFFFFFFFF;
	p2 =	slt.u32 s8, $0xFFFFF086  }
0x1c: {  	p1 =	slt.u32 s9, $0xF7A;
	s5 =	simm.s32 @!p2 $0x0  }
0x1d: {  	s5 =	simm.s32 @p1 $0x1;
	p0 =	seq.s32 s7, s2  }
0x1e: {  	s7 =	smul.u32 @!p0 $0xF7A, s2;
	p2 =	seq.s32 @!p0 s5, $0x0  }
0x1f: {  	s9 =	smul.u32 $0xF7A, s1;
	s8 =	simm.s32 @!p0 $0x1BF5;
	p2 =	por !p2, p0  }
0x20: {  	[sflag:s8] =	ssyncset.s32 @!p0 $0xFFFFF086;
	s6 =	sadd.s32 @!p0 s3, s7;
	s7 =	simm.s32 @!p0 $0x108  }
0x21: {  	s3 =	sadd.s32 s3, s9;
	s6 =	sadd.s32 @!p0 $0x88, s6;
	s7 =	simm.s32 @p2 $0x1082  }
0x22: {  	[simem:s7], [sflag:s8] =	dma.local @!p0 [hbm:s6], $0xF7A  }
0x23: {  	s9 =	sor.u32 $0xD0000000, s2;
	s6 =	simm.s32 $0x108;
	_ =	swait.ge @!p0 [sflag:s8], $0x0  }
0x24: {  	s3 =	sadd.s32 $0x88, s3;
	s6 =	simm.s32 @!p1 $0x1082;
	[sflag:s4] =	ssyncset.s32 $0xFFFFF086  }
0x25: {  	[simem:s6], [sflag:s4] =	dma.local [hbm:s3], $0xF7A  }
0x26: {  	[smem:$0x3F9F] =	sst s1;
	(tag) =	ssettag s2;
	_ =	strace s9  }
0x27: {  	s1 =	sld [smem:$0x3FAF]  }
0x28: {  	s2 =	sld [smem:$0x3FB0]  }
0x29: {  	s4 =	sld [smem:$0x3FB2]  }
0x2a: {  	p0 =	seq.s32 s5, $0x0;
	s5 =	sld [smem:$0x3FB3]  }
0x2b: {  	s6 =	sld [smem:$0x3FB4]  }
0x2c: {  	s7 =	sld [smem:$0x3FB5]  }
0x2d: {  	s3 =	simm.s32 $0x108;
	s8 =	sld [smem:$0x3FB6]  }
0x2e: {  	s3 =	simm.s32 @!p0 $0x1082;
	s9 =	sld [smem:$0x3FB7]  }
0x2f: {  	lr =	sadd.s32 s0, s3;
	s0 =	sld [smem:$0x3FAE]  }
0x30: {  	s3 =	sld [smem:$0x3FB1]  }
0x31: {  	[smem:$0x3FBA] =	sst s10  }
0x32: {  	s10 =	sld [smem:$0x3FB8];
	_ =	sdelay $0x3  }
0x33: {  	p0 =	seq.s32 s10, $0x1;
	s10 =	sld [smem:$0x3FBA];
	_ =	sdelay $0x3  }
0x34: {  	[smem:$0x3FBA] =	sst s10  }
0x35: {  	s10 =	sld [smem:$0x3FB9];
	_ =	sdelay $0x3  }
0x36: {  	p1 =	seq.s32 s10, $0x1;
	s10 =	sld [smem:$0x3FBA];
	_ =	sdelay $0x3  }
0x37: {  	[smem:$0x3FBA] =	sst s10  }
0x38: {  	s10 =	sld [smem:$0x3FBB]  }
0x39: {  	_ = 	snop;
	(pc) =	sbr.ind lr, $3  }
0x3a: {  	_ = 	snop  }
0x3b: {  	_ = 	snop  }
0x3c: {  	p2 =	seq.s32 s10, $0x1;
	s10 =	sld [smem:$0x3FBA]  }
0x3d: {  	_ =	shalt  }
0x3e: {  	_ =	shalt  }
0x3f: {  	_ =	shalt  }
0x40: {  	_ =	shalt  }
0x41: {  	_ =	shalt  }
0x42: {  	_ =	shalt  }
0x43: {  	_ =	shalt  }
0x44: {  	_ =	shalt  }
0x45: {  	_ =	shalt  }
0x46: {  	_ =	shalt  }
0x47: {  	_ =	shalt  }
0x48: {  	_ =	shalt  }
0x49: {  	_ =	shalt  }
0x4a: {  	_ =	shalt  }
0x4b: {  	_ =	shalt  }
0x4c: {  	_ =	shalt  }
0x4d: {  	_ =	shalt  }
0x4e: {  	_ =	shalt  }
0x4f: {  	_ =	shalt  }
0x50: {  	_ =	shalt  }
0x51: {  	_ =	shalt  }
0x52: {  	_ =	shalt  }
0x53: {  	_ =	shalt  }
0x54: {  	_ =	shalt  }
0x55: {  	_ =	shalt  }
0x56: {  	_ =	shalt  }
0x57: {  	_ =	shalt  }
0x58: {  	_ =	shalt  }
0x59: {  	_ =	shalt  }
0x5a: {  	_ =	shalt  }
0x5b: {  	_ =	shalt  }
0x5c: {  	_ =	shalt  }
0x5d: {  	_ =	shalt  }
0x5e: {  	_ =	shalt  }
0x5f: {  	_ =	shalt  }
0x60: {  	_ =	shalt  }
0x61: {  	_ =	shalt  }
0x62: {  	_ =	shalt  }
0x63: {  	_ =	shalt  }
0x64: {  	_ =	shalt  }
0x65: {  	_ =	shalt  }
0x66: {  	_ =	shalt  }
0x67: {  	_ =	shalt  }
0x68: {  	_ =	shalt  }
0x69: {  	_ =	shalt  }
0x6a: {  	_ =	shalt  }
0x6b: {  	_ =	shalt  }
0x6c: {  	_ =	shalt  }
0x6d: {  	_ =	shalt  }
0x6e: {  	_ =	shalt  }
0x6f: {  	_ =	shalt  }
0x70: {  	_ =	shalt  }
0x71: {  	_ =	shalt  }
0x72: {  	_ =	shalt  }
0x73: {  	_ =	shalt  }
0x74: {  	_ =	shalt  }
0x75: {  	_ =	shalt  }
0x76: {  	_ =	shalt  }
0x77: {  	_ =	shalt  }
0x78: {  	_ =	shalt  }
0x79: {  	_ =	shalt  }
0x7a: {  	_ =	shalt  }
0x7b: {  	_ =	shalt  }
0x7c: {  	_ =	shalt  }
0x7d: {  	_ =	shalt  }
0x7e: {  	_ =	shalt  }
0x7f: {  	_ =	shalt  }
0x80: {  	_ =	shalt  }
0x81: {  	_ =	shalt  }
0x82: {  	_ =	shalt  }
0x83: {  	_ =	shalt  }
0x84: {  	_ =	shalt  }
0x85: {  	_ =	shalt  }
0x86: {  	_ =	shalt  }
0x87: {  	_ =	shalt  }
.Lfunc_end0:
.L_simem_size_0:
called_computation.1_lowered:
.L_overlay_start_0:
0x88: {  	s2 =	sld [smem:$0x3FD9]  }
0x89: {  	s3 =	sld [smem:$0x3FFE];
	_ =	sdelay $0x1  }
0x8a: {  	s1 =	srdreg.scid  }
0x8b: {  	s0 =	sand.u32 $0x1, s1  }
0x8c: {  	s16 =	sshll.u32 s0, $0xA;
	s2 =	sadd.s32 s3, s2  }
0x8d: {  	s2 =	sadd.s32 s2, s16  }
0x8e: {  	[smem:$0x3FC6] =	sst s2  }
0x8f: {  	_ = 	snop  }
0x90: {  	(tm) =	ssettm $0x1  }
0x91: {  	s17 =	sld [smem:$0x3FFB];
	_ =	sdelay $0x3  }
0x92: {  	_ =	strace s17  }
0x93: {  	s2 =	sld [smem:$0x3FFC];
	_ =	sdelay $0x3  }
0x94: {  	_ =	strace s2  }
0x95: {  	s2 =	sld [smem:$0x3FFD];
	_ =	sdelay $0x3  }
0x96: {  	_ =	strace s2  }
0x97: {  	_ =	strace $0x8FFFFFFF  }
0x98: {  	s18 =	sld [smem:$0x3FDB];
	_ =	sdelay $0x1  }
0x99: {  	s19 =	simm.s32 $_scs_section_size  }
0x9a: {  	s4 =	simm.s32 $_size__tile_overlayer_lowered;
	s5 =	simm.s32 $_tile_overlayer_lowered  }
0x9b: {  	s22 =	simm.s32 $0x1BFF;
	s21 =	sshll.u32 s5, $0x1;
	s2 =	sadd.s32 s19, s18  }
0x9c: {  	s6 =	simm.s32 $0x0;
	s20 =	sshll.u32 s4, $0x1;
	s4 =	sadd.s32 s21, s2  }
0x9d: {  	[timem:s6], [sflag:s22] =	dma.local [hbm:s4], s20  }
0x9e: {  	_ =	swait.ge [sflag:s22], s20  }
0x9f: {  	s3 =	ssub.s32 $0x0, s20;
	[sflag:s22] =	ssyncset.done $0x0  }
0xa0: {  	[sflag:s22] =	ssyncadd.s32 s3;
	_ =	sdelay $0x1  }
0xa1: {  	s23 =	simm.s32 $0x1B8B  }
0xa2: {  	_ =	swait.ge [sflag:s23], $0x1  }
0xa3: {  	[sflag:s23] =	ssyncset.done $0x0  }
0xa4: {  	s25 =	simm.s32 $0x1B8E;
	s24 =	sld [smem:$0x3FFE];
	[sflag:s23] =	ssyncadd.s32 $0xFFFFFFFF  }
0xa5: {  	s26 =	simm.s32 $execute0_lowered;
	[smem:$0x3FD2] =	sst s25  }
0xa6: {  	s4 =	sshll.u32 s26, $0x1;
	_ =	strace $0x80000049;
	[dreg:$0x1] =	wrdreg $0xFFFFFFFF  }
0xa7: {  	s28 =	simm.s32 $_size_execute0_lowered;
	s2 =	sadd.s32 s2, s4;
	[dreg:$0x0] =	wrdreg $0x0  }
0xa8: {  	s4 =	sshll.u32 s28, $0x1;
	[dreg:$0x2] =	wrdreg s2  }
0xa9: {  	[dreg:$0x3] =	wrdreg s4  }
0xaa: {  	[dreg:$0x4] =	wrdreg $0xC0  }
0xab: {  	_ =	task [dreg:s6], $0x5FFFF  }
0xac: {  	[dreg:$0x1] =	wrdreg $0xFFFFFFFF  }
0xad: {  	[dreg:$0x0] =	wrdreg $0x60  }
0xae: {  	[dreg:$0x2] =	wrdreg s24  }
0xaf: {  	[dreg:$0x3] =	wrdreg $0x9  }
0xb0: {  	_ =	task.clear_ibuf [dreg:s6], $0x4FFFF;
	_ =	strace $0x90000049  }
0xb1: {  	s29 =	simm.s32 $0x9;
	_ =	strace $0x8000004B  }
0xb2: {  	_ =	swait.ge [sflag:s29], $0x1  }
0xb3: {  	[sflag:s29] =	ssyncadd.s32 $0xFFFFFFFF  }
0xb4: {  	_ =	strace $0x9000004B  }
0xb5: {  	_ =	sfence  }
0xb6: {  	s30 =	sld [smem:$0x0];
	_ =	sdelay $0x2  }
0xb7: {  	s31 =	sshll.u32 s1, $0xD;
	s1 =	sshrl.u32 s1, $0x2  }
0xb8: {  	s3 =	sand.u32 $0x4000, s31;
	s1 =	sadd.s32 s1, s30  }
0xb9: {  	s0 =	sor.u32 s3, s0;
	s1 =	sshll.u32 s1, $0x11  }
0xba: {  	s0 =	sor.u32 s1, s0  }
0xbb: {  	s0 =	sadd.s32 $0x8F2B, s0  }
0xbc: {  	[sflag:s0] =	ssyncadd.remote.s32 $0x1  }
0xbd: {  	_ =	sfence.sel $0xFFFF  }
0xbe: {  	[dreg:$0x0] =	wrdreg $0xFFFFFFFF;
	(pc) =	sbr.abs _section_cstart, $3  }
0xbf: {  	[dreg:$0x1] =	wrdreg $0xFFFFFFFF  }
0xc0: {  	_ =	task.clear_ibuf [dreg:s6], $0x2FFFF;
	_ =	strace $0x9FFFFFFF  }
0xc1: {  	(tm) =	ssettm $0x7FFFFFFF  }
tec
execute0_lowered:
.L_overlay_start_1:
0x0: {  	(tag) =	ssettag $0x1  }
0x1: {  	s7 =	rddreg [dreg:$0x0]  }
0x2: {  	s0 =	rddreg [dreg:$0x1];
	_ =	strace $0x8000004A  }
0x3: {  	s1 =	srdreg.scid;
	s4 =	simm.s32 $0x1;
	s9 =	simm.s32 $0x3  }
0x4: {  	s11 =	simm.s32 $0x0;
	p0 =	por $0x0, $0x0;
	s5 =	sshll.u32 s1, $0x4  }
.Ltmp0:
0x5: {  	s1 =	stileid.u32;
	s5 =	sand.u32 $0x10, s5;
	(pc) =	sbr.rel .LBB2_1-.Ltmp0, $4  }
0x6: {  	s2 =	sadd.s32 $0x81800, s7;
	s3 =	sadd.s32 $0x41C00, s7;
	s6 =	sor.u32 s1, s5  }
0x7: {  	[sflag:s4] =	ssyncpa.u1 $0x0;
	s5 =	simm.s32 $0x2;
	s6 =	sshll.u32 s6, $0x8  }
0x8: {  	s7 =	sadd.s32 $0xC2000, s7;
	[sflag:s5] =	ssyncpa.u1 $0x0;
	s8 =	sadd.s32 $0x100, s6  }
0x9: {  	vm0 =	vmmov $0xff;
	vm1 =	vcmask $0x3F20;
	[sflag:s9] =	ssyncpa.u1 $0x0;
	s10 =	smov.u32 s6;
	s9 =	simm.s32 $0x0  }
.LBB2_8:
0xa: {  	[hbm:s15] =	stream.linear.scatter [tilespmem:s12], [sflag:$0x3], $0x800, $0x38;
	[tilespmem:$0x10100] =	vst v63  }
.LBB2_9:
0xb: {  	p1 =	slt.u32 s9, $0x2;
	s11 =	sadd.s32 $0x80, s10  }
0xc: {  	s13 =	smov.u32 s6;
	s9 =	sadd.s32 $0x1, s9;
	p2 =	slt.s32 s11, s8  }
0xd: {  	s13 =	smov.u32 @p2 s11;
	p2 =	sne.s32 s9, $0x4  }
.Ltmp1:
0xe: {  	_ = 	snop;
	(pc) =	sbr.rel @!p2 .LBB2_10-.Ltmp1, $4  }
0xf: {  	s12 =	simm.s32 @!p1 $0x3  }
0x10: {  	_ =	swait.ge @!p1 [sflag:s12], $0x8000  }
0x11: {  	p0 =	por !p0, !p0;
	[sflag:s12] =	ssyncset.done @!p1 $0x0  }
0x12: {  	s11 =	smov.u32 s10;
	s10 =	smov.u32 s13;
	[sflag:s12] =	ssyncadd.s32 @!p1 $0xFFFF8000  }
.LBB2_1:
0x13: {  	p1 =	sgt.u32 s9, $0x1  }
0x14: {  	s12 =	sshll.u32 @!p1 s9, $0x7;
	s13 =	sshrl.u32 @!p1 s10, $0x3  }
0x15: {  	s14 =	sand.u32 @!p1 $0x7, s10;
	s12 =	sxor.u32 @!p1 $0x80, s12;
	s13 =	sadd.s32 @!p1 s3, s13  }
0x16: {  	[tilespmem:s12], [sflag:$0x2] =	stream.linear.gather @!p1 [hbm4b:s13+s14], $0x80, $0x38;
	[tilespmem:$0x10100] =	vst v63  }
0x17: {  	p1 =	seq.s32 s9, $0x0  }
0x18: {  	p2 =	seq.s32 @!p1 s9, $0x3  }
0x19: {  	p1 =	por p1, p2  }
.Ltmp2:
0x1a: {  	_ = 	snop;
	(pc) =	sbr.rel @p1 .LBB2_9-.Ltmp2, $1  }
0x1b: {  	_ =	sdelay $0x3  }
0x1c: {  	s12 =	simm.s32 $0x1;
	_ =	swait.ge [sflag:s5], $0x80;
	s13 =	sand.u32 $0x1, s9  }
0x1d: {  	s15 =	simm.s32 $0x0;
	s12 =	simm.s32 @!p0 $0x0;
	[sflag:s5] =	ssyncset.done $0x0  }
0x1e: {  	s14 =	sshll.u32 s13, $0xF;
	s13 =	sshll.u32 s13, $0x7;
	s12 =	sshll.u32 s12, $0xF  }
0x1f: {  	[sflag:s5] =	ssyncadd.s32 $0xFFFFFF80;
	s14 =	sor.u32 $0x100, s14;
	s12 =	sor.u32 $0x100, s12  }
.LBB2_3:
0x20: {  	s16 =	sshll.u32 s15, $0x4  }
0x21: {  	s16 =	sand.u32 $0x3FFFFFF0, s16  }
0x22: {  	s16 =	sadd.s32 s16, s13  }
0x23: {  	v0 =	vld.msk [tilespmem:s16+$0x0 ss:$0x1], $0xffff;
	_ =	sdelay $0x4  }
0x24: {  	vm2 =	vgt.s32 v0, $0x0  }
0x25: {  	v0 =	vnsel vm2, $0x0, v0  }
0x26: {  	v0 =	vmin.u32 v0, $0x1FFF  }
0x27: {  	s31 =	sshll.u32 s15, $0xC;
	v1 =	vshll.u32 v0, $0x5;
	v0 =	vshll.u32 v0, $0x4  }
0x28: {  	s16 =	sand.u32 $0x3FFFF000, s31;
	v1 =	vand.u32 $0x3FF00, v1;
	v0 =	vand.u32 $0x70, v0  }
0x29: {  	p1 =	por $0x1, $0x1;
	s17 =	simm.s32 $0x0;
	s16 =	sadd.s32 s16, s14;
	v0 =	vor.u32 v0, v1  }
.LBB2_4:
0x2a: {  	_ =	sdelay $0x1  }
0x2b: {  	s17 =	sshra.s32 s17, $0x2;
	p2 =	por p1, p1  }
.Ltmp3:
0x2c: {  	s17 =	sadd.s32 s17, s16;
	(pc) =	sbr.rel @p2 .LBB2_4-.Ltmp3, $4  }
0x2d: {  	[tilespmem:s17], [sflag:$0x1] =	stream.indirect_vreg.gather [hbm:s2], $0x80, v0, vm0, $0x38;
	[tilespmem:$0x10100] =	vst v63  }
0x2e: {  	s17 =	sadd.s32 $0x800, s17  }
0x2f: {  	[tilespmem:s17], [sflag:$0x1] =	stream.indirect_vreg.gather [hbm:s2], $0x80, v0, vm1, $0x38;
	[tilespmem:$0x10100] =	vst v63  }
0x30: {  	p1 =	por $0x0, $0x0;
	v0 =	vadd.s32 $0x80, v0;
	s17 =	simm.s32 $0x1000  }
0x31: {  	s15 =	sadd.s32 $0x1, s15  }
0x32: {  	p1 =	sne.s32 s15, $0x8  }
.Ltmp4:
0x33: {  	_ = 	snop;
	(pc) =	sbr.rel @p1 .LBB2_3-.Ltmp4, $1  }
0x34: {  	_ =	sdelay $0x3  }
0x35: {  	s13 =	sshll.u32 s11, $0x5  }
0x36: {  	s31 =	sshll.u32 s11, $0x4;
	s13 =	sand.u32 $0xFFFFFF00, s13  }
0x37: {  	_ =	swait.ge [sflag:s4], $0x8000;
	s11 =	sand.u32 $0x70, s31;
	s13 =	sadd.s32 s13, s7  }
0x38: {  	s14 =	sadd.s32 $0x800, s12;
	[sflag:s4] =	ssyncset.done $0x0;
	s11 =	sadd.s32 s11, s13  }
0x39: {  	[sflag:s4] =	ssyncadd.s32 $0xFFFF8000;
	s13 =	simm.s32 $0x100;
	s15 =	sadd.s32 $0x0, s11  }
.LBB2_7:
0x3a: {  	[hbm:s15] =	stream.linear.scatter [tilespmem:s12], [sflag:$0x3], $0x800, $0x38;
	[tilespmem:$0x10100] =	vst v63  }
0x3b: {  	s15 =	smov.u32 s13;
	s12 =	smov.u32 s14;
	p1 =	sne.s32 s13, $0xF00  }
.Ltmp5:
0x3c: {  	s13 =	sadd.s32 $0x100, s13;
	(pc) =	sbr.rel @p1 .LBB2_7-.Ltmp5, $2  }
0x3d: {  	_ =	sdelay $0x2  }
0x3e: {  	s14 =	sadd.s32 $0x800, s14;
	s15 =	sadd.s32 s15, s11  }
.Ltmp6:
0x3f: {  	_ = 	snop;
	(pc) =	sbr.rel .LBB2_8-.Ltmp6, $1  }
0x40: {  	_ =	sdelay $0x3  }
.LBB2_10:
0x41: {  	_ =	sfence.sel $0x180000  }
0x42: {  	s2 =	simm.s32 $0x2;
	[bflag:$0x0] =	sbarrier.arrive $0xFFFF  }
0x43: {  	s30 =	simm.s32 $0x3;
	[sflag:s2] =	ssyncpa.u1 $0x1  }
0x44: {  	s31 =	simm.s32 $0x1;
	[sflag:s30] =	ssyncpa.u1 $0x1  }
0x45: {  	[sflag:s31] =	ssyncpa.u1 $0x1  }
0x46: {  	p0 =	sne.s32 s1, $0x0;
	_ =	strace $0x9000004A  }
0x47: {  	s0 =	sadd.s32 @!p0 $0x100000, s0;
	[bflag:$0x2] =	sbarrier.arrive $0xFFFF  }
0x48: {  	[sflag:s0] =	ssyncadd.tile.s32 @!p0 $0x1;
	_ =	shalt  }
.Lfunc_end2:
_tile_overlayer_lowered:
.L_overlay_start_2:
0x49: {  	(tag) =	ssettag $0x2  }
0x4a: {  	s0 =	rddreg [dreg:$0x0];
	s2 =	stileid.u32  }
0x4b: {  	s1 =	rddreg [dreg:$0x1];
	p0 =	sne.s32 s2, $0x0  }
0x4c: {  	s3 =	rddreg [dreg:$0x2];
	[bflag:$0x3] =	sbarrier.arrive $0xFFFF;
	s2 =	simm.s32 @!p0 $0x1C01  }
0x4d: {  	[timem:s3], [sflag:s2] =	dma.local @!p0 [hbm:s0], s1  }
0x4e: {  	s0 =	simm.s32 @!p0 $0x1  }
0x4f: {  	_ =	swait.ge @!p0 [sflag:s0], s1  }
0x50: {  	s1 =	ssub.s32 @!p0 $0x0, s1;
	[sflag:s0] =	ssyncset.done @!p0 $0x0  }
0x51: {  	[sflag:s0] =	ssyncadd.s32 @!p0 s1  }
0x52: {  	[bflag:$0x3] =	sbarrier.arrive $0xFFFF  }
0x53: {  	_ =	shalt  }

// kernel: gather_offload_async_start.2
scs
__scs_entry_jumppad:
0x0: {  	(pc) =	sbr.rel $0x88, $3  }
0x1: {  	(tag) =	ssettag $0x0;
	lr =	simm.s32 $0x1  }
0x2: {  	[smem:$0x3F9F] =	sst lr;
	_ =	strace $0xD0000000  }
0x3: {  	_ = 	snop  }
0x4: {  	_ = 	snop  }
0x5: {  	_ = 	snop  }
0x6: {  	_ = 	snop  }
0x7: {  	_ = 	snop  }
__scs_overlays_trampoline_lowered:
0x8: {  	[smem:$0x3FAE] =	sst s0  }
0x9: {  	[smem:$0x3FAF] =	sst s1  }
0xa: {  	[smem:$0x3FB0] =	sst s2  }
0xb: {  	[smem:$0x3FB1] =	sst s3  }
0xc: {  	[smem:$0x3FB2] =	sst s4  }
0xd: {  	[smem:$0x3FB3] =	sst s5  }
0xe: {  	[smem:$0x3FB4] =	sst s6  }
0xf: {  	[smem:$0x3FB5] =	sst s7  }
0x10: {  	[smem:$0x3FB6] =	sst s8  }
0x11: {  	[smem:$0x3FB7] =	sst s9;
	s0 =	simm.s32 @!p0 $0x0  }
0x12: {  	s1 =	sld [smem:$0x3F9D];
	s0 =	simm.s32 @p0 $0x1  }
0x13: {  	[smem:$0x3FB8] =	sst s0;
	s0 =	simm.s32 @!p1 $0x0  }
0x14: {  	s2 =	sld [smem:$0x3F9C];
	s0 =	simm.s32 @p1 $0x1  }
0x15: {  	[smem:$0x3FB9] =	sst s0;
	s0 =	simm.s32 @!p2 $0x0  }
0x16: {  	s3 =	sld [smem:$0x3FDB];
	s0 =	simm.s32 @p2 $0x1  }
0x17: {  	s4 =	simm.s32 $0x1BF5;
	[smem:$0x3FBB] =	sst s0  }
0x18: {  	s0 =	sld [smem:$0x3F9E];
	_ =	swait.ge [sflag:s4], $0x0  }
0x19: {  	s7 =	sld [smem:$0x3F9F]  }
0x1a: {  	s8 =	sadd.s32 $0xFFFFE003, lr  }
0x1b: {  	s9 =	sadd.s32 $0xFFFFFEF7, lr;
	s5 =	simm.s32 $0xFFFFFFFF;
	p2 =	slt.u32 s8, $0xFFFFF086  }
0x1c: {  	p1 =	slt.u32 s9, $0xF7A;
	s5 =	simm.s32 @!p2 $0x0  }
0x1d: {  	s5 =	simm.s32 @p1 $0x1;
	p0 =	seq.s32 s7, s2  }
0x1e: {  	s7 =	smul.u32 @!p0 $0xF7A, s2;
	p2 =	seq.s32 @!p0 s5, $0x0  }
0x1f: {  	s9 =	smul.u32 $0xF7A, s1;
	s8 =	simm.s32 @!p0 $0x1BF5;
	p2 =	por !p2, p0  }
0x20: {  	[sflag:s8] =	ssyncset.s32 @!p0 $0xFFFFF086;
	s6 =	sadd.s32 @!p0 s3, s7;
	s7 =	simm.s32 @!p0 $0x108  }
0x21: {  	s3 =	sadd.s32 s3, s9;
	s6 =	sadd.s32 @!p0 $0x88, s6;
	s7 =	simm.s32 @p2 $0x1082  }
0x22: {  	[simem:s7], [sflag:s8] =	dma.local @!p0 [hbm:s6], $0xF7A  }
0x23: {  	s9 =	sor.u32 $0xD0000000, s2;
	s6 =	simm.s32 $0x108;
	_ =	swait.ge @!p0 [sflag:s8], $0x0  }
0x24: {  	s3 =	sadd.s32 $0x88, s3;
	s6 =	simm.s32 @!p1 $0x1082;
	[sflag:s4] =	ssyncset.s32 $0xFFFFF086  }
0x25: {  	[simem:s6], [sflag:s4] =	dma.local [hbm:s3], $0xF7A  }
0x26: {  	[smem:$0x3F9F] =	sst s1;
	(tag) =	ssettag s2;
	_ =	strace s9  }
0x27: {  	s1 =	sld [smem:$0x3FAF]  }
0x28: {  	s2 =	sld [smem:$0x3FB0]  }
0x29: {  	s4 =	sld [smem:$0x3FB2]  }
0x2a: {  	p0 =	seq.s32 s5, $0x0;
	s5 =	sld [smem:$0x3FB3]  }
0x2b: {  	s6 =	sld [smem:$0x3FB4]  }
0x2c: {  	s7 =	sld [smem:$0x3FB5]  }
0x2d: {  	s3 =	simm.s32 $0x108;
	s8 =	sld [smem:$0x3FB6]  }
0x2e: {  	s3 =	simm.s32 @!p0 $0x1082;
	s9 =	sld [smem:$0x3FB7]  }
0x2f: {  	lr =	sadd.s32 s0, s3;
	s0 =	sld [smem:$0x3FAE]  }
0x30: {  	s3 =	sld [smem:$0x3FB1]  }
0x31: {  	[smem:$0x3FBA] =	sst s10  }
0x32: {  	s10 =	sld [smem:$0x3FB8];
	_ =	sdelay $0x3  }
0x33: {  	p0 =	seq.s32 s10, $0x1;
	s10 =	sld [smem:$0x3FBA];
	_ =	sdelay $0x3  }
0x34: {  	[smem:$0x3FBA] =	sst s10  }
0x35: {  	s10 =	sld [smem:$0x3FB9];
	_ =	sdelay $0x3  }
0x36: {  	p1 =	seq.s32 s10, $0x1;
	s10 =	sld [smem:$0x3FBA];
	_ =	sdelay $0x3  }
0x37: {  	[smem:$0x3FBA] =	sst s10  }
0x38: {  	s10 =	sld [smem:$0x3FBB]  }
0x39: {  	_ = 	snop;
	(pc) =	sbr.ind lr, $3  }
0x3a: {  	_ = 	snop  }
0x3b: {  	_ = 	snop  }
0x3c: {  	p2 =	seq.s32 s10, $0x1;
	s10 =	sld [smem:$0x3FBA]  }
0x3d: {  	_ =	shalt  }
0x3e: {  	_ =	shalt  }
0x3f: {  	_ =	shalt  }
0x40: {  	_ =	shalt  }
0x41: {  	_ =	shalt  }
0x42: {  	_ =	shalt  }
0x43: {  	_ =	shalt  }
0x44: {  	_ =	shalt  }
0x45: {  	_ =	shalt  }
0x46: {  	_ =	shalt  }
0x47: {  	_ =	shalt  }
0x48: {  	_ =	shalt  }
0x49: {  	_ =	shalt  }
0x4a: {  	_ =	shalt  }
0x4b: {  	_ =	shalt  }
0x4c: {  	_ =	shalt  }
0x4d: {  	_ =	shalt  }
0x4e: {  	_ =	shalt  }
0x4f: {  	_ =	shalt  }
0x50: {  	_ =	shalt  }
0x51: {  	_ =	shalt  }
0x52: {  	_ =	shalt  }
0x53: {  	_ =	shalt  }
0x54: {  	_ =	shalt  }
0x55: {  	_ =	shalt  }
0x56: {  	_ =	shalt  }
0x57: {  	_ =	shalt  }
0x58: {  	_ =	shalt  }
0x59: {  	_ =	shalt  }
0x5a: {  	_ =	shalt  }
0x5b: {  	_ =	shalt  }
0x5c: {  	_ =	shalt  }
0x5d: {  	_ =	shalt  }
0x5e: {  	_ =	shalt  }
0x5f: {  	_ =	shalt  }
0x60: {  	_ =	shalt  }
0x61: {  	_ =	shalt  }
0x62: {  	_ =	shalt  }
0x63: {  	_ =	shalt  }
0x64: {  	_ =	shalt  }
0x65: {  	_ =	shalt  }
0x66: {  	_ =	shalt  }
0x67: {  	_ =	shalt  }
0x68: {  	_ =	shalt  }
0x69: {  	_ =	shalt  }
0x6a: {  	_ =	shalt  }
0x6b: {  	_ =	shalt  }
0x6c: {  	_ =	shalt  }
0x6d: {  	_ =	shalt  }
0x6e: {  	_ =	shalt  }
0x6f: {  	_ =	shalt  }
0x70: {  	_ =	shalt  }
0x71: {  	_ =	shalt  }
0x72: {  	_ =	shalt  }
0x73: {  	_ =	shalt  }
0x74: {  	_ =	shalt  }
0x75: {  	_ =	shalt  }
0x76: {  	_ =	shalt  }
0x77: {  	_ =	shalt  }
0x78: {  	_ =	shalt  }
0x79: {  	_ =	shalt  }
0x7a: {  	_ =	shalt  }
0x7b: {  	_ =	shalt  }
0x7c: {  	_ =	shalt  }
0x7d: {  	_ =	shalt  }
0x7e: {  	_ =	shalt  }
0x7f: {  	_ =	shalt  }
0x80: {  	_ =	shalt  }
0x81: {  	_ =	shalt  }
0x82: {  	_ =	shalt  }
0x83: {  	_ =	shalt  }
0x84: {  	_ =	shalt  }
0x85: {  	_ =	shalt  }
0x86: {  	_ =	shalt  }
0x87: {  	_ =	shalt  }
.Lfunc_end0:
.L_simem_size_0:
called_computation.2_lowered:
.L_overlay_start_0:
0x88: {  	s2 =	sld [smem:$0x3FD9]  }
0x89: {  	s3 =	sld [smem:$0x3FFE];
	_ =	sdelay $0x1  }
0x8a: {  	s1 =	srdreg.scid  }
0x8b: {  	s0 =	sand.u32 $0x1, s1  }
0x8c: {  	s16 =	sshll.u32 s0, $0xA;
	s2 =	sadd.s32 s3, s2  }
0x8d: {  	s2 =	sadd.s32 s2, s16  }
0x8e: {  	[smem:$0x3FC6] =	sst s2  }
0x8f: {  	_ = 	snop  }
0x90: {  	(tm) =	ssettm $0x1  }
0x91: {  	s17 =	sld [smem:$0x3FFB];
	_ =	sdelay $0x3  }
0x92: {  	_ =	strace s17  }
0x93: {  	s2 =	sld [smem:$0x3FFC];
	_ =	sdelay $0x3  }
0x94: {  	_ =	strace s2  }
0x95: {  	s2 =	sld [smem:$0x3FFD];
	_ =	sdelay $0x3  }
0x96: {  	_ =	strace s2  }
0x97: {  	_ =	strace $0x8FFFFFFF  }
0x98: {  	s18 =	sld [smem:$0x3FDB];
	_ =	sdelay $0x1  }
0x99: {  	s19 =	simm.s32 $_scs_section_size  }
0x9a: {  	s4 =	simm.s32 $_size__tile_overlayer_lowered;
	s5 =	simm.s32 $_tile_overlayer_lowered  }
0x9b: {  	s22 =	simm.s32 $0x1BFF;
	s21 =	sshll.u32 s5, $0x1;
	s2 =	sadd.s32 s19, s18  }
0x9c: {  	s6 =	simm.s32 $0x0;
	s20 =	sshll.u32 s4, $0x1;
	s4 =	sadd.s32 s21, s2  }
0x9d: {  	[timem:s6], [sflag:s22] =	dma.local [hbm:s4], s20  }
0x9e: {  	_ =	swait.ge [sflag:s22], s20  }
0x9f: {  	s3 =	ssub.s32 $0x0, s20;
	[sflag:s22] =	ssyncset.done $0x0  }
0xa0: {  	[sflag:s22] =	ssyncadd.s32 s3;
	_ =	sdelay $0x1  }
0xa1: {  	s23 =	simm.s32 $0x1B8B  }
0xa2: {  	_ =	swait.ge [sflag:s23], $0x1  }
0xa3: {  	[sflag:s23] =	ssyncset.done $0x0  }
0xa4: {  	s25 =	simm.s32 $0x1B8E;
	s24 =	sld [smem:$0x3FFE];
	[sflag:s23] =	ssyncadd.s32 $0xFFFFFFFF  }
0xa5: {  	s26 =	simm.s32 $execute0_lowered;
	[smem:$0x3FD2] =	sst s25  }
0xa6: {  	s4 =	sshll.u32 s26, $0x1;
	_ =	strace $0x8000004C;
	[dreg:$0x1] =	wrdreg $0xFFFFFFFF  }
0xa7: {  	s28 =	simm.s32 $_size_execute0_lowered;
	s2 =	sadd.s32 s2, s4;
	[dreg:$0x0] =	wrdreg $0x0  }
0xa8: {  	s4 =	sshll.u32 s28, $0x1;
	[dreg:$0x2] =	wrdreg s2  }
0xa9: {  	[dreg:$0x3] =	wrdreg s4  }
0xaa: {  	[dreg:$0x4] =	wrdreg $0xC0  }
0xab: {  	_ =	task [dreg:s6], $0x5FFFF  }
0xac: {  	[dreg:$0x1] =	wrdreg $0xFFFFFFFF  }
0xad: {  	[dreg:$0x0] =	wrdreg $0x60  }
0xae: {  	[dreg:$0x2] =	wrdreg s24  }
0xaf: {  	[dreg:$0x3] =	wrdreg $0x9  }
0xb0: {  	_ =	task.clear_ibuf [dreg:s6], $0x4FFFF;
	_ =	strace $0x9000004C  }
0xb1: {  	s29 =	simm.s32 $0x9;
	_ =	strace $0x8000004E  }
0xb2: {  	_ =	swait.ge [sflag:s29], $0x1  }
0xb3: {  	[sflag:s29] =	ssyncadd.s32 $0xFFFFFFFF  }
0xb4: {  	_ =	strace $0x9000004E  }
0xb5: {  	_ =	sfence  }
0xb6: {  	s30 =	sld [smem:$0x0];
	_ =	sdelay $0x2  }
0xb7: {  	s31 =	sshll.u32 s1, $0xD;
	s1 =	sshrl.u32 s1, $0x2  }
0xb8: {  	s3 =	sand.u32 $0x4000, s31;
	s1 =	sadd.s32 s1, s30  }
0xb9: {  	s0 =	sor.u32 s3, s0;
	s1 =	sshll.u32 s1, $0x11  }
0xba: {  	s0 =	sor.u32 s1, s0  }
0xbb: {  	s0 =	sadd.s32 $0x8F2B, s0  }
0xbc: {  	[sflag:s0] =	ssyncadd.remote.s32 $0x1  }
0xbd: {  	_ =	sfence.sel $0xFFFF  }
0xbe: {  	[dreg:$0x0] =	wrdreg $0xFFFFFFFF;
	(pc) =	sbr.abs _section_cstart, $3  }
0xbf: {  	[dreg:$0x1] =	wrdreg $0xFFFFFFFF  }
0xc0: {  	_ =	task.clear_ibuf [dreg:s6], $0x2FFFF;
	_ =	strace $0x9FFFFFFF  }
0xc1: {  	(tm) =	ssettm $0x7FFFFFFF  }
tec
execute0_lowered:
.L_overlay_start_1:
0x0: {  	(tag) =	ssettag $0x1  }
0x1: {  	s7 =	rddreg [dreg:$0x0]  }
0x2: {  	s0 =	rddreg [dreg:$0x1];
	_ =	strace $0x8000004D  }
0x3: {  	s1 =	srdreg.scid;
	s4 =	simm.s32 $0x1;
	s9 =	simm.s32 $0x3  }
0x4: {  	s11 =	simm.s32 $0x0;
	p0 =	por $0x0, $0x0;
	s5 =	sshll.u32 s1, $0x4  }
.Ltmp0:
0x5: {  	s1 =	stileid.u32;
	s5 =	sand.u32 $0x10, s5;
	(pc) =	sbr.rel .LBB2_1-.Ltmp0, $4  }
0x6: {  	s2 =	sadd.s32 $0x1800, s7;
	s3 =	sadd.s32 $0x41C00, s7;
	s6 =	sor.u32 s1, s5  }
0x7: {  	[sflag:s4] =	ssyncpa.u1 $0x0;
	s5 =	simm.s32 $0x2;
	s6 =	sshll.u32 s6, $0x8  }
0x8: {  	s7 =	sadd.s32 $0x42000, s7;
	[sflag:s5] =	ssyncpa.u1 $0x0;
	s8 =	sadd.s32 $0x100, s6  }
0x9: {  	vm0 =	vmmov $0xff;
	vm1 =	vcmask $0x3F20;
	[sflag:s9] =	ssyncpa.u1 $0x0;
	s10 =	smov.u32 s6;
	s9 =	simm.s32 $0x0  }
.LBB2_8:
0xa: {  	[hbm:s15] =	stream.linear.scatter [tilespmem:s12], [sflag:$0x3], $0x800, $0x38;
	[tilespmem:$0x10100] =	vst v63  }
.LBB2_9:
0xb: {  	p1 =	slt.u32 s9, $0x2;
	s11 =	sadd.s32 $0x80, s10  }
0xc: {  	s13 =	smov.u32 s6;
	s9 =	sadd.s32 $0x1, s9;
	p2 =	slt.s32 s11, s8  }
0xd: {  	s13 =	smov.u32 @p2 s11;
	p2 =	sne.s32 s9, $0x4  }
.Ltmp1:
0xe: {  	_ = 	snop;
	(pc) =	sbr.rel @!p2 .LBB2_10-.Ltmp1, $4  }
0xf: {  	s12 =	simm.s32 @!p1 $0x3  }
0x10: {  	_ =	swait.ge @!p1 [sflag:s12], $0x8000  }
0x11: {  	p0 =	por !p0, !p0;
	[sflag:s12] =	ssyncset.done @!p1 $0x0  }
0x12: {  	s11 =	smov.u32 s10;
	s10 =	smov.u32 s13;
	[sflag:s12] =	ssyncadd.s32 @!p1 $0xFFFF8000  }
.LBB2_1:
0x13: {  	p1 =	sgt.u32 s9, $0x1  }
0x14: {  	s12 =	sshll.u32 @!p1 s9, $0x7;
	s13 =	sshrl.u32 @!p1 s10, $0x3  }
0x15: {  	s14 =	sand.u32 @!p1 $0x7, s10;
	s12 =	sxor.u32 @!p1 $0x80, s12;
	s13 =	sadd.s32 @!p1 s3, s13  }
0x16: {  	[tilespmem:s12], [sflag:$0x2] =	stream.linear.gather @!p1 [hbm4b:s13+s14], $0x80, $0x38;
	[tilespmem:$0x10100] =	vst v63  }
0x17: {  	p1 =	seq.s32 s9, $0x0  }
0x18: {  	p2 =	seq.s32 @!p1 s9, $0x3  }
0x19: {  	p1 =	por p1, p2  }
.Ltmp2:
0x1a: {  	_ = 	snop;
	(pc) =	sbr.rel @p1 .LBB2_9-.Ltmp2, $1  }
0x1b: {  	_ =	sdelay $0x3  }
0x1c: {  	s12 =	simm.s32 $0x1;
	_ =	swait.ge [sflag:s5], $0x80;
	s13 =	sand.u32 $0x1, s9  }
0x1d: {  	s15 =	simm.s32 $0x0;
	s12 =	simm.s32 @!p0 $0x0;
	[sflag:s5] =	ssyncset.done $0x0  }
0x1e: {  	s14 =	sshll.u32 s13, $0xF;
	s13 =	sshll.u32 s13, $0x7;
	s12 =	sshll.u32 s12, $0xF  }
0x1f: {  	[sflag:s5] =	ssyncadd.s32 $0xFFFFFF80;
	s14 =	sor.u32 $0x100, s14;
	s12 =	sor.u32 $0x100, s12  }
.LBB2_3:
0x20: {  	s16 =	sshll.u32 s15, $0x4  }
0x21: {  	s16 =	sand.u32 $0x3FFFFFF0, s16  }
0x22: {  	s16 =	sadd.s32 s16, s13  }
0x23: {  	v0 =	vld.msk [tilespmem:s16+$0x0 ss:$0x1], $0xffff;
	_ =	sdelay $0x4  }
0x24: {  	vm2 =	vgt.s32 v0, $0x0  }
0x25: {  	v0 =	vnsel vm2, $0x0, v0  }
0x26: {  	v0 =	vmin.u32 v0, $0x1FFF  }
0x27: {  	s31 =	sshll.u32 s15, $0xC;
	v1 =	vshll.u32 v0, $0x5;
	v0 =	vshll.u32 v0, $0x4  }
0x28: {  	s16 =	sand.u32 $0x3FFFF000, s31;
	v1 =	vand.u32 $0x3FF00, v1;
	v0 =	vand.u32 $0x70, v0  }
0x29: {  	p1 =	por $0x1, $0x1;
	s17 =	simm.s32 $0x0;
	s16 =	sadd.s32 s16, s14;
	v0 =	vor.u32 v0, v1  }
.LBB2_4:
0x2a: {  	_ =	sdelay $0x1  }
0x2b: {  	s17 =	sshra.s32 s17, $0x2;
	p2 =	por p1, p1  }
.Ltmp3:
0x2c: {  	s17 =	sadd.s32 s17, s16;
	(pc) =	sbr.rel @p2 .LBB2_4-.Ltmp3, $4  }
0x2d: {  	[tilespmem:s17], [sflag:$0x1] =	stream.indirect_vreg.gather [hbm:s2], $0x80, v0, vm0, $0x38;
	[tilespmem:$0x10100] =	vst v63  }
0x2e: {  	s17 =	sadd.s32 $0x800, s17  }
0x2f: {  	[tilespmem:s17], [sflag:$0x1] =	stream.indirect_vreg.gather [hbm:s2], $0x80, v0, vm1, $0x38;
	[tilespmem:$0x10100] =	vst v63  }
0x30: {  	p1 =	por $0x0, $0x0;
	v0 =	vadd.s32 $0x80, v0;
	s17 =	simm.s32 $0x1000  }
0x31: {  	s15 =	sadd.s32 $0x1, s15  }
0x32: {  	p1 =	sne.s32 s15, $0x8  }
.Ltmp4:
0x33: {  	_ = 	snop;
	(pc) =	sbr.rel @p1 .LBB2_3-.Ltmp4, $1  }
0x34: {  	_ =	sdelay $0x3  }
0x35: {  	s13 =	sshll.u32 s11, $0x5  }
0x36: {  	s31 =	sshll.u32 s11, $0x4;
	s13 =	sand.u32 $0xFFFFFF00, s13  }
0x37: {  	_ =	swait.ge [sflag:s4], $0x8000;
	s11 =	sand.u32 $0x70, s31;
	s13 =	sadd.s32 s13, s7  }
0x38: {  	s14 =	sadd.s32 $0x800, s12;
	[sflag:s4] =	ssyncset.done $0x0;
	s11 =	sadd.s32 s11, s13  }
0x39: {  	[sflag:s4] =	ssyncadd.s32 $0xFFFF8000;
	s13 =	simm.s32 $0x100;
	s15 =	sadd.s32 $0x0, s11  }
.LBB2_7:
0x3a: {  	[hbm:s15] =	stream.linear.scatter [tilespmem:s12], [sflag:$0x3], $0x800, $0x38;
	[tilespmem:$0x10100] =	vst v63  }
0x3b: {  	s15 =	smov.u32 s13;
	s12 =	smov.u32 s14;
	p1 =	sne.s32 s13, $0xF00  }
.Ltmp5:
0x3c: {  	s13 =	sadd.s32 $0x100, s13;
	(pc) =	sbr.rel @p1 .LBB2_7-.Ltmp5, $2  }
0x3d: {  	_ =	sdelay $0x2  }
0x3e: {  	s14 =	sadd.s32 $0x800, s14;
	s15 =	sadd.s32 s15, s11  }
.Ltmp6:
0x3f: {  	_ = 	snop;
	(pc) =	sbr.rel .LBB2_8-.Ltmp6, $1  }
0x40: {  	_ =	sdelay $0x3  }
.LBB2_10:
0x41: {  	_ =	sfence.sel $0x180000  }
0x42: {  	s2 =	simm.s32 $0x2;
	[bflag:$0x0] =	sbarrier.arrive $0xFFFF  }
0x43: {  	s30 =	simm.s32 $0x3;
	[sflag:s2] =	ssyncpa.u1 $0x1  }
0x44: {  	s31 =	simm.s32 $0x1;
	[sflag:s30] =	ssyncpa.u1 $0x1  }
0x45: {  	[sflag:s31] =	ssyncpa.u1 $0x1  }
0x46: {  	p0 =	sne.s32 s1, $0x0;
	_ =	strace $0x9000004D  }
0x47: {  	s0 =	sadd.s32 @!p0 $0x100000, s0;
	[bflag:$0x2] =	sbarrier.arrive $0xFFFF  }
0x48: {  	[sflag:s0] =	ssyncadd.tile.s32 @!p0 $0x1;
	_ =	shalt  }
.Lfunc_end2:
_tile_overlayer_lowered:
.L_overlay_start_2:
0x49: {  	(tag) =	ssettag $0x2  }
0x4a: {  	s0 =	rddreg [dreg:$0x0];
	s2 =	stileid.u32  }
0x4b: {  	s1 =	rddreg [dreg:$0x1];
	p0 =	sne.s32 s2, $0x0  }
0x4c: {  	s3 =	rddreg [dreg:$0x2];
	[bflag:$0x3] =	sbarrier.arrive $0xFFFF;
	s2 =	simm.s32 @!p0 $0x1C01  }
0x4d: {  	[timem:s3], [sflag:s2] =	dma.local @!p0 [hbm:s0], s1  }
0x4e: {  	s0 =	simm.s32 @!p0 $0x1  }
0x4f: {  	_ =	swait.ge @!p0 [sflag:s0], s1  }
0x50: {  	s1 =	ssub.s32 @!p0 $0x0, s1;
	[sflag:s0] =	ssyncset.done @!p0 $0x0  }
0x51: {  	[sflag:s0] =	ssyncadd.s32 @!p0 s1  }
0x52: {  	[bflag:$0x3] =	sbarrier.arrive $0xFFFF  }
0x53: {  	_ =	shalt  }

// kernel: gather_offload_async_start.3
scs
__scs_entry_jumppad:
0x0: {  	(pc) =	sbr.rel $0x88, $3  }
0x1: {  	(tag) =	ssettag $0x0;
	lr =	simm.s32 $0x1  }
0x2: {  	[smem:$0x3F9F] =	sst lr;
	_ =	strace $0xD0000000  }
0x3: {  	_ = 	snop  }
0x4: {  	_ = 	snop  }
0x5: {  	_ = 	snop  }
0x6: {  	_ = 	snop  }
0x7: {  	_ = 	snop  }
__scs_overlays_trampoline_lowered:
0x8: {  	[smem:$0x3FAE] =	sst s0  }
0x9: {  	[smem:$0x3FAF] =	sst s1  }
0xa: {  	[smem:$0x3FB0] =	sst s2  }
0xb: {  	[smem:$0x3FB1] =	sst s3  }
0xc: {  	[smem:$0x3FB2] =	sst s4  }
0xd: {  	[smem:$0x3FB3] =	sst s5  }
0xe: {  	[smem:$0x3FB4] =	sst s6  }
0xf: {  	[smem:$0x3FB5] =	sst s7  }
0x10: {  	[smem:$0x3FB6] =	sst s8  }
0x11: {  	[smem:$0x3FB7] =	sst s9;
	s0 =	simm.s32 @!p0 $0x0  }
0x12: {  	s1 =	sld [smem:$0x3F9D];
	s0 =	simm.s32 @p0 $0x1  }
0x13: {  	[smem:$0x3FB8] =	sst s0;
	s0 =	simm.s32 @!p1 $0x0  }
0x14: {  	s2 =	sld [smem:$0x3F9C];
	s0 =	simm.s32 @p1 $0x1  }
0x15: {  	[smem:$0x3FB9] =	sst s0;
	s0 =	simm.s32 @!p2 $0x0  }
0x16: {  	s3 =	sld [smem:$0x3FDB];
	s0 =	simm.s32 @p2 $0x1  }
0x17: {  	s4 =	simm.s32 $0x1BF5;
	[smem:$0x3FBB] =	sst s0  }
0x18: {  	s0 =	sld [smem:$0x3F9E];
	_ =	swait.ge [sflag:s4], $0x0  }
0x19: {  	s7 =	sld [smem:$0x3F9F]  }
0x1a: {  	s8 =	sadd.s32 $0xFFFFE003, lr  }
0x1b: {  	s9 =	sadd.s32 $0xFFFFFEF7, lr;
	s5 =	simm.s32 $0xFFFFFFFF;
	p2 =	slt.u32 s8, $0xFFFFF086  }
0x1c: {  	p1 =	slt.u32 s9, $0xF7A;
	s5 =	simm.s32 @!p2 $0x0  }
0x1d: {  	s5 =	simm.s32 @p1 $0x1;
	p0 =	seq.s32 s7, s2  }
0x1e: {  	s7 =	smul.u32 @!p0 $0xF7A, s2;
	p2 =	seq.s32 @!p0 s5, $0x0  }
0x1f: {  	s9 =	smul.u32 $0xF7A, s1;
	s8 =	simm.s32 @!p0 $0x1BF5;
	p2 =	por !p2, p0  }
0x20: {  	[sflag:s8] =	ssyncset.s32 @!p0 $0xFFFFF086;
	s6 =	sadd.s32 @!p0 s3, s7;
	s7 =	simm.s32 @!p0 $0x108  }
0x21: {  	s3 =	sadd.s32 s3, s9;
	s6 =	sadd.s32 @!p0 $0x88, s6;
	s7 =	simm.s32 @p2 $0x1082  }
0x22: {  	[simem:s7], [sflag:s8] =	dma.local @!p0 [hbm:s6], $0xF7A  }
0x23: {  	s9 =	sor.u32 $0xD0000000, s2;
	s6 =	simm.s32 $0x108;
	_ =	swait.ge @!p0 [sflag:s8], $0x0  }
0x24: {  	s3 =	sadd.s32 $0x88, s3;
	s6 =	simm.s32 @!p1 $0x1082;
	[sflag:s4] =	ssyncset.s32 $0xFFFFF086  }
0x25: {  	[simem:s6], [sflag:s4] =	dma.local [hbm:s3], $0xF7A  }
0x26: {  	[smem:$0x3F9F] =	sst s1;
	(tag) =	ssettag s2;
	_ =	strace s9  }
0x27: {  	s1 =	sld [smem:$0x3FAF]  }
0x28: {  	s2 =	sld [smem:$0x3FB0]  }
0x29: {  	s4 =	sld [smem:$0x3FB2]  }
0x2a: {  	p0 =	seq.s32 s5, $0x0;
	s5 =	sld [smem:$0x3FB3]  }
0x2b: {  	s6 =	sld [smem:$0x3FB4]  }
0x2c: {  	s7 =	sld [smem:$0x3FB5]  }
0x2d: {  	s3 =	simm.s32 $0x108;
	s8 =	sld [smem:$0x3FB6]  }
0x2e: {  	s3 =	simm.s32 @!p0 $0x1082;
	s9 =	sld [smem:$0x3FB7]  }
0x2f: {  	lr =	sadd.s32 s0, s3;
	s0 =	sld [smem:$0x3FAE]  }
0x30: {  	s3 =	sld [smem:$0x3FB1]  }
0x31: {  	[smem:$0x3FBA] =	sst s10  }
0x32: {  	s10 =	sld [smem:$0x3FB8];
	_ =	sdelay $0x3  }
0x33: {  	p0 =	seq.s32 s10, $0x1;
	s10 =	sld [smem:$0x3FBA];
	_ =	sdelay $0x3  }
0x34: {  	[smem:$0x3FBA] =	sst s10  }
0x35: {  	s10 =	sld [smem:$0x3FB9];
	_ =	sdelay $0x3  }
0x36: {  	p1 =	seq.s32 s10, $0x1;
	s10 =	sld [smem:$0x3FBA];
	_ =	sdelay $0x3  }
0x37: {  	[smem:$0x3FBA] =	sst s10  }
0x38: {  	s10 =	sld [smem:$0x3FBB]  }
0x39: {  	_ = 	snop;
	(pc) =	sbr.ind lr, $3  }
0x3a: {  	_ = 	snop  }
0x3b: {  	_ = 	snop  }
0x3c: {  	p2 =	seq.s32 s10, $0x1;
	s10 =	sld [smem:$0x3FBA]  }
0x3d: {  	_ =	shalt  }
0x3e: {  	_ =	shalt  }
0x3f: {  	_ =	shalt  }
0x40: {  	_ =	shalt  }
0x41: {  	_ =	shalt  }
0x42: {  	_ =	shalt  }
0x43: {  	_ =	shalt  }
0x44: {  	_ =	shalt  }
0x45: {  	_ =	shalt  }
0x46: {  	_ =	shalt  }
0x47: {  	_ =	shalt  }
0x48: {  	_ =	shalt  }
0x49: {  	_ =	shalt  }
0x4a: {  	_ =	shalt  }
0x4b: {  	_ =	shalt  }
0x4c: {  	_ =	shalt  }
0x4d: {  	_ =	shalt  }
0x4e: {  	_ =	shalt  }
0x4f: {  	_ =	shalt  }
0x50: {  	_ =	shalt  }
0x51: {  	_ =	shalt  }
0x52: {  	_ =	shalt  }
0x53: {  	_ =	shalt  }
0x54: {  	_ =	shalt  }
0x55: {  	_ =	shalt  }
0x56: {  	_ =	shalt  }
0x57: {  	_ =	shalt  }
0x58: {  	_ =	shalt  }
0x59: {  	_ =	shalt  }
0x5a: {  	_ =	shalt  }
0x5b: {  	_ =	shalt  }
0x5c: {  	_ =	shalt  }
0x5d: {  	_ =	shalt  }
0x5e: {  	_ =	shalt  }
0x5f: {  	_ =	shalt  }
0x60: {  	_ =	shalt  }
0x61: {  	_ =	shalt  }
0x62: {  	_ =	shalt  }
0x63: {  	_ =	shalt  }
0x64: {  	_ =	shalt  }
0x65: {  	_ =	shalt  }
0x66: {  	_ =	shalt  }
0x67: {  	_ =	shalt  }
0x68: {  	_ =	shalt  }
0x69: {  	_ =	shalt  }
0x6a: {  	_ =	shalt  }
0x6b: {  	_ =	shalt  }
0x6c: {  	_ =	shalt  }
0x6d: {  	_ =	shalt  }
0x6e: {  	_ =	shalt  }
0x6f: {  	_ =	shalt  }
0x70: {  	_ =	shalt  }
0x71: {  	_ =	shalt  }
0x72: {  	_ =	shalt  }
0x73: {  	_ =	shalt  }
0x74: {  	_ =	shalt  }
0x75: {  	_ =	shalt  }
0x76: {  	_ =	shalt  }
0x77: {  	_ =	shalt  }
0x78: {  	_ =	shalt  }
0x79: {  	_ =	shalt  }
0x7a: {  	_ =	shalt  }
0x7b: {  	_ =	shalt  }
0x7c: {  	_ =	shalt  }
0x7d: {  	_ =	shalt  }
0x7e: {  	_ =	shalt  }
0x7f: {  	_ =	shalt  }
0x80: {  	_ =	shalt  }
0x81: {  	_ =	shalt  }
0x82: {  	_ =	shalt  }
0x83: {  	_ =	shalt  }
0x84: {  	_ =	shalt  }
0x85: {  	_ =	shalt  }
0x86: {  	_ =	shalt  }
0x87: {  	_ =	shalt  }
.Lfunc_end0:
.L_simem_size_0:
called_computation.3_lowered:
.L_overlay_start_0:
0x88: {  	s2 =	sld [smem:$0x3FD9]  }
0x89: {  	s3 =	sld [smem:$0x3FFE];
	_ =	sdelay $0x1  }
0x8a: {  	s1 =	srdreg.scid  }
0x8b: {  	s0 =	sand.u32 $0x1, s1  }
0x8c: {  	s14 =	sshll.u32 s0, $0xA;
	s2 =	sadd.s32 s3, s2  }
0x8d: {  	s2 =	sadd.s32 s2, s14  }
0x8e: {  	[smem:$0x3FC6] =	sst s2  }
0x8f: {  	_ = 	snop  }
0x90: {  	s2 =	sld [smem:$0x3FD0];
	_ =	sdelay $0x2  }
0x91: {  	s15 =	simm.s32 $0xA;
	s4 =	simm.s32 $0x10  }
0x92: {  	[smem:s4], [sflag:s15] =	dma.local [hbm:s2], $0x1  }
0x93: {  	_ =	swait.eq [sflag:s15], $0x1  }
0x94: {  	[sflag:s15] =	ssyncset.done $0x0  }
0x95: {  	[sflag:s15] =	ssyncadd.s32 $0xFFFFFFFF  }
0x96: {  	s16 =	sld [smem:$0x10];
	(tm) =	ssettm $0x1  }
0x97: {  	s17 =	sld [smem:$0x3FFB];
	_ =	sdelay $0x3  }
0x98: {  	_ =	strace s17  }
0x99: {  	s3 =	sld [smem:$0x3FFC];
	_ =	sdelay $0x3  }
0x9a: {  	_ =	strace s3  }
0x9b: {  	s3 =	sld [smem:$0x3FFD];
	_ =	sdelay $0x3  }
0x9c: {  	_ =	strace s3  }
0x9d: {  	_ =	strace $0x8FFFFFFF  }
0x9e: {  	s18 =	sld [smem:$0x3FDB];
	_ =	sdelay $0x1  }
0x9f: {  	s19 =	simm.s32 $_scs_section_size  }
0xa0: {  	s5 =	simm.s32 $_size__tile_overlayer_lowered;
	s6 =	simm.s32 $_tile_overlayer_lowered  }
0xa1: {  	s22 =	simm.s32 $0x1BFF;
	s21 =	sshll.u32 s6, $0x1;
	s3 =	sadd.s32 s19, s18  }
0xa2: {  	s7 =	simm.s32 $0x0;
	s20 =	sshll.u32 s5, $0x1;
	s5 =	sadd.s32 s21, s3  }
0xa3: {  	[timem:s7], [sflag:s22] =	dma.local [hbm:s5], s20  }
0xa4: {  	_ =	swait.ge [sflag:s22], s20  }
0xa5: {  	s4 =	ssub.s32 $0x0, s20;
	[sflag:s22] =	ssyncset.done $0x0  }
0xa6: {  	[sflag:s22] =	ssyncadd.s32 s4;
	_ =	sdelay $0x1  }
0xa7: {  	s23 =	simm.s32 $0x1B8B  }
0xa8: {  	_ =	swait.ge [sflag:s23], $0x1  }
0xa9: {  	[sflag:s23] =	ssyncset.done $0x0  }
0xaa: {  	s25 =	simm.s32 $0x1B8E;
	s24 =	sld [smem:$0x3FFE];
	[sflag:s23] =	ssyncadd.s32 $0xFFFFFFFF  }
0xab: {  	s26 =	simm.s32 $execute0_lowered;
	[smem:$0x3FD2] =	sst s25  }
0xac: {  	s5 =	sshll.u32 s26, $0x1;
	_ =	strace $0x8000004F;
	[dreg:$0x1] =	wrdreg $0xFFFFFFFF  }
0xad: {  	s28 =	simm.s32 $_size_execute0_lowered;
	s3 =	sadd.s32 s3, s5;
	[dreg:$0x0] =	wrdreg $0x0  }
0xae: {  	s5 =	sshll.u32 s28, $0x1;
	[dreg:$0x2] =	wrdreg s3  }
0xaf: {  	[dreg:$0x3] =	wrdreg s5  }
0xb0: {  	[dreg:$0x4] =	wrdreg $0xC0  }
0xb1: {  	_ =	task [dreg:s7], $0x5FFFF  }
0xb2: {  	[dreg:$0x1] =	wrdreg $0xFFFFFFFF  }
0xb3: {  	[dreg:$0x0] =	wrdreg $0x60  }
0xb4: {  	[dreg:$0x2] =	wrdreg s16  }
0xb5: {  	[dreg:$0x3] =	wrdreg s24  }
0xb6: {  	[dreg:$0x4] =	wrdreg $0x9  }
0xb7: {  	_ =	task.clear_ibuf [dreg:s7], $0x5FFFF;
	_ =	strace $0x9000004F  }
0xb8: {  	s29 =	simm.s32 $0x9;
	_ =	strace $0x80000051  }
0xb9: {  	_ =	swait.ge [sflag:s29], $0x1  }
0xba: {  	[sflag:s29] =	ssyncadd.s32 $0xFFFFFFFF  }
0xbb: {  	_ =	strace $0x90000051  }
0xbc: {  	_ =	sfence  }
0xbd: {  	s30 =	sld [smem:$0x0];
	_ =	sdelay $0x2  }
0xbe: {  	s31 =	sshll.u32 s1, $0xD;
	s1 =	sshrl.u32 s1, $0x2  }
0xbf: {  	s3 =	sand.u32 $0x4000, s31;
	s1 =	sadd.s32 s1, s30  }
0xc0: {  	s0 =	sor.u32 s3, s0;
	s1 =	sshll.u32 s1, $0x11  }
0xc1: {  	s0 =	sor.u32 s1, s0  }
0xc2: {  	s0 =	sadd.s32 $0x8F2B, s0  }
0xc3: {  	[sflag:s0] =	ssyncadd.remote.s32 $0x1  }
0xc4: {  	_ =	sfence.sel $0xFFFF  }
0xc5: {  	[dreg:$0x0] =	wrdreg $0xFFFFFFFF;
	(pc) =	sbr.abs _section_cstart, $3  }
0xc6: {  	[dreg:$0x1] =	wrdreg $0xFFFFFFFF  }
0xc7: {  	_ =	task.clear_ibuf [dreg:s7], $0x2FFFF;
	_ =	strace $0x9FFFFFFF  }
0xc8: {  	(tm) =	ssettm $0x7FFFFFFF  }
0xc9: {  	_ =	shalt  }
tec
execute0_lowered:
.L_overlay_start_1:
0x0: {  	(tag) =	ssettag $0x1  }
0x1: {  	s2 =	rddreg [dreg:$0x0]  }
0x2: {  	s7 =	rddreg [dreg:$0x1]  }
0x3: {  	s0 =	rddreg [dreg:$0x2]  }
0x4: {  	s1 =	srdreg.scid;
	_ =	strace $0x80000050;
	s4 =	simm.s32 $0x1  }
0x5: {  	s9 =	simm.s32 $0x3;
	s11 =	simm.s32 $0x0;
	s5 =	sshll.u32 s1, $0x4  }
.Ltmp0:
0x6: {  	s1 =	stileid.u32;
	s5 =	sand.u32 $0x10, s5;
	(pc) =	sbr.rel .LBB2_1-.Ltmp0, $4  }
0x7: {  	p0 =	por $0x0, $0x0;
	s3 =	sadd.s32 $0x1800, s7;
	s6 =	sor.u32 s1, s5  }
0x8: {  	[sflag:s4] =	ssyncpa.u1 $0x0;
	s5 =	simm.s32 $0x2;
	s6 =	sshll.u32 s6, $0x8  }
0x9: {  	s7 =	sadd.s32 $0x41C00, s7;
	[sflag:s5] =	ssyncpa.u1 $0x0;
	s8 =	sadd.s32 $0x100, s6  }
0xa: {  	vm0 =	vmmov $0xff;
	vm1 =	vcmask $0x3F20;
	[sflag:s9] =	ssyncpa.u1 $0x0;
	s10 =	smov.u32 s6;
	s9 =	simm.s32 $0x0  }
.LBB2_8:
0xb: {  	[hbm:s15] =	stream.linear.scatter [tilespmem:s12], [sflag:$0x3], $0x800, $0x38;
	[tilespmem:$0x10100] =	vst v63  }
.LBB2_9:
0xc: {  	p1 =	slt.u32 s9, $0x2;
	s11 =	sadd.s32 $0x80, s10  }
0xd: {  	s13 =	smov.u32 s6;
	s9 =	sadd.s32 $0x1, s9;
	p2 =	slt.s32 s11, s8  }
0xe: {  	s13 =	smov.u32 @p2 s11;
	p2 =	sne.s32 s9, $0x4  }
.Ltmp1:
0xf: {  	_ = 	snop;
	(pc) =	sbr.rel @!p2 .LBB2_10-.Ltmp1, $4  }
0x10: {  	s12 =	simm.s32 @!p1 $0x3  }
0x11: {  	_ =	swait.ge @!p1 [sflag:s12], $0x8000  }
0x12: {  	p0 =	por !p0, !p0;
	[sflag:s12] =	ssyncset.done @!p1 $0x0  }
0x13: {  	s11 =	smov.u32 s10;
	s10 =	smov.u32 s13;
	[sflag:s12] =	ssyncadd.s32 @!p1 $0xFFFF8000  }
.LBB2_1:
0x14: {  	p1 =	sgt.u32 s9, $0x1  }
0x15: {  	s12 =	sshll.u32 @!p1 s9, $0x7;
	s13 =	sshrl.u32 @!p1 s10, $0x3  }
0x16: {  	s14 =	sand.u32 @!p1 $0x7, s10;
	s12 =	sxor.u32 @!p1 $0x80, s12;
	s13 =	sadd.s32 @!p1 s3, s13  }
0x17: {  	[tilespmem:s12], [sflag:$0x2] =	stream.linear.gather @!p1 [hbm4b:s13+s14], $0x80, $0x38;
	[tilespmem:$0x10100] =	vst v63  }
0x18: {  	p1 =	seq.s32 s9, $0x0  }
0x19: {  	p2 =	seq.s32 @!p1 s9, $0x3  }
0x1a: {  	p1 =	por p1, p2  }
.Ltmp2:
0x1b: {  	_ = 	snop;
	(pc) =	sbr.rel @p1 .LBB2_9-.Ltmp2, $1  }
0x1c: {  	_ =	sdelay $0x3  }
0x1d: {  	s12 =	simm.s32 $0x1;
	_ =	swait.ge [sflag:s5], $0x80;
	s13 =	sand.u32 $0x1, s9  }
0x1e: {  	s15 =	simm.s32 $0x0;
	s12 =	simm.s32 @!p0 $0x0;
	[sflag:s5] =	ssyncset.done $0x0  }
0x1f: {  	s14 =	sshll.u32 s13, $0xF;
	s13 =	sshll.u32 s13, $0x7;
	s12 =	sshll.u32 s12, $0xF  }
0x20: {  	[sflag:s5] =	ssyncadd.s32 $0xFFFFFF80;
	s14 =	sor.u32 $0x100, s14;
	s12 =	sor.u32 $0x100, s12  }
.LBB2_3:
0x21: {  	s16 =	sshll.u32 s15, $0x4  }
0x22: {  	s16 =	sand.u32 $0x3FFFFFF0, s16  }
0x23: {  	s16 =	sadd.s32 s16, s13  }
0x24: {  	v0 =	vld.msk [tilespmem:s16+$0x0 ss:$0x1], $0xffff;
	_ =	sdelay $0x4  }
0x25: {  	vm2 =	vgt.s32 v0, $0x0  }
0x26: {  	v0 =	vnsel vm2, $0x0, v0  }
0x27: {  	v0 =	vmin.u32 v0, $0x1FFF  }
0x28: {  	s31 =	sshll.u32 s15, $0xC;
	v1 =	vshll.u32 v0, $0x5;
	v0 =	vshll.u32 v0, $0x4  }
0x29: {  	s16 =	sand.u32 $0x3FFFF000, s31;
	v1 =	vand.u32 $0x3FF00, v1;
	v0 =	vand.u32 $0x70, v0  }
0x2a: {  	p1 =	por $0x1, $0x1;
	s17 =	simm.s32 $0x0;
	s16 =	sadd.s32 s16, s14;
	v0 =	vor.u32 v0, v1  }
.LBB2_4:
0x2b: {  	_ =	sdelay $0x1  }
0x2c: {  	s17 =	sshra.s32 s17, $0x2;
	p2 =	por p1, p1  }
.Ltmp3:
0x2d: {  	s17 =	sadd.s32 s17, s16;
	(pc) =	sbr.rel @p2 .LBB2_4-.Ltmp3, $4  }
0x2e: {  	[tilespmem:s17], [sflag:$0x1] =	stream.indirect_vreg.gather [hbm:s2], $0x80, v0, vm0, $0x38;
	[tilespmem:$0x10100] =	vst v63  }
0x2f: {  	s17 =	sadd.s32 $0x800, s17  }
0x30: {  	[tilespmem:s17], [sflag:$0x1] =	stream.indirect_vreg.gather [hbm:s2], $0x80, v0, vm1, $0x38;
	[tilespmem:$0x10100] =	vst v63  }
0x31: {  	p1 =	por $0x0, $0x0;
	v0 =	vadd.s32 $0x80, v0;
	s17 =	simm.s32 $0x1000  }
0x32: {  	s15 =	sadd.s32 $0x1, s15  }
0x33: {  	p1 =	sne.s32 s15, $0x8  }
.Ltmp4:
0x34: {  	_ = 	snop;
	(pc) =	sbr.rel @p1 .LBB2_3-.Ltmp4, $1  }
0x35: {  	_ =	sdelay $0x3  }
0x36: {  	s13 =	sshll.u32 s11, $0x5  }
0x37: {  	s31 =	sshll.u32 s11, $0x4;
	s13 =	sand.u32 $0xFFFFFF00, s13  }
0x38: {  	_ =	swait.ge [sflag:s4], $0x8000;
	s11 =	sand.u32 $0x70, s31;
	s13 =	sadd.s32 s13, s7  }
0x39: {  	s14 =	sadd.s32 $0x800, s12;
	[sflag:s4] =	ssyncset.done $0x0;
	s11 =	sadd.s32 s11, s13  }
0x3a: {  	[sflag:s4] =	ssyncadd.s32 $0xFFFF8000;
	s13 =	simm.s32 $0x100;
	s15 =	sadd.s32 $0x0, s11  }
.LBB2_7:
0x3b: {  	[hbm:s15] =	stream.linear.scatter [tilespmem:s12], [sflag:$0x3], $0x800, $0x38;
	[tilespmem:$0x10100] =	vst v63  }
0x3c: {  	s15 =	smov.u32 s13;
	s12 =	smov.u32 s14;
	p1 =	sne.s32 s13, $0xF00  }
.Ltmp5:
0x3d: {  	s13 =	sadd.s32 $0x100, s13;
	(pc) =	sbr.rel @p1 .LBB2_7-.Ltmp5, $2  }
0x3e: {  	_ =	sdelay $0x2  }
0x3f: {  	s14 =	sadd.s32 $0x800, s14;
	s15 =	sadd.s32 s15, s11  }
.Ltmp6:
0x40: {  	_ = 	snop;
	(pc) =	sbr.rel .LBB2_8-.Ltmp6, $1  }
0x41: {  	_ =	sdelay $0x3  }
.LBB2_10:
0x42: {  	_ =	sfence.sel $0x180000  }
0x43: {  	s2 =	simm.s32 $0x2;
	[bflag:$0x0] =	sbarrier.arrive $0xFFFF  }
0x44: {  	s30 =	simm.s32 $0x3;
	[sflag:s2] =	ssyncpa.u1 $0x1  }
0x45: {  	s31 =	simm.s32 $0x1;
	[sflag:s30] =	ssyncpa.u1 $0x1  }
0x46: {  	[sflag:s31] =	ssyncpa.u1 $0x1  }
0x47: {  	p0 =	sne.s32 s1, $0x0;
	_ =	strace $0x90000050  }
0x48: {  	s0 =	sadd.s32 @!p0 $0x100000, s0;
	[bflag:$0x2] =	sbarrier.arrive $0xFFFF  }
0x49: {  	[sflag:s0] =	ssyncadd.tile.s32 @!p0 $0x1;
	_ =	shalt  }
.Lfunc_end2:
_tile_overlayer_lowered:
.L_overlay_start_2:
0x4a: {  	(tag) =	ssettag $0x2  }
0x4b: {  	s0 =	rddreg [dreg:$0x0];
	s2 =	stileid.u32  }
0x4c: {  	s1 =	rddreg [dreg:$0x1];
	p0 =	sne.s32 s2, $0x0  }
0x4d: {  	s3 =	rddreg [dreg:$0x2];
	[bflag:$0x3] =	sbarrier.arrive $0xFFFF;
	s2 =	simm.s32 @!p0 $0x1C01  }
0x4e: {  	[timem:s3], [sflag:s2] =	dma.local @!p0 [hbm:s0], s1  }
0x4f: {  	s0 =	simm.s32 @!p0 $0x1  }
0x50: {  	_ =	swait.ge @!p0 [sflag:s0], s1  }
0x51: {  	s1 =	ssub.s32 @!p0 $0x0, s1;
	[sflag:s0] =	ssyncset.done @!p0 $0x0  }
0x52: {  	[sflag:s0] =	ssyncadd.s32 @!p0 s1  }
0x53: {  	[bflag:$0x3] =	sbarrier.arrive $0xFFFF  }
0x54: {  	_ =	shalt  }

// kernel: gather_offload_async_start
scs
__scs_entry_jumppad:
0x0: {  	(pc) =	sbr.rel $0x88, $3  }
0x1: {  	(tag) =	ssettag $0x0;
	lr =	simm.s32 $0x1  }
0x2: {  	[smem:$0x3F9F] =	sst lr;
	_ =	strace $0xD0000000  }
0x3: {  	_ = 	snop  }
0x4: {  	_ = 	snop  }
0x5: {  	_ = 	snop  }
0x6: {  	_ = 	snop  }
0x7: {  	_ = 	snop  }
__scs_overlays_trampoline_lowered:
0x8: {  	[smem:$0x3FAE] =	sst s0  }
0x9: {  	[smem:$0x3FAF] =	sst s1  }
0xa: {  	[smem:$0x3FB0] =	sst s2  }
0xb: {  	[smem:$0x3FB1] =	sst s3  }
0xc: {  	[smem:$0x3FB2] =	sst s4  }
0xd: {  	[smem:$0x3FB3] =	sst s5  }
0xe: {  	[smem:$0x3FB4] =	sst s6  }
0xf: {  	[smem:$0x3FB5] =	sst s7  }
0x10: {  	[smem:$0x3FB6] =	sst s8  }
0x11: {  	[smem:$0x3FB7] =	sst s9;
	s0 =	simm.s32 @!p0 $0x0  }
0x12: {  	s1 =	sld [smem:$0x3F9D];
	s0 =	simm.s32 @p0 $0x1  }
0x13: {  	[smem:$0x3FB8] =	sst s0;
	s0 =	simm.s32 @!p1 $0x0  }
0x14: {  	s2 =	sld [smem:$0x3F9C];
	s0 =	simm.s32 @p1 $0x1  }
0x15: {  	[smem:$0x3FB9] =	sst s0;
	s0 =	simm.s32 @!p2 $0x0  }
0x16: {  	s3 =	sld [smem:$0x3FDB];
	s0 =	simm.s32 @p2 $0x1  }
0x17: {  	s4 =	simm.s32 $0x1BF5;
	[smem:$0x3FBB] =	sst s0  }
0x18: {  	s0 =	sld [smem:$0x3F9E];
	_ =	swait.ge [sflag:s4], $0x0  }
0x19: {  	s7 =	sld [smem:$0x3F9F]  }
0x1a: {  	s8 =	sadd.s32 $0xFFFFE003, lr  }
0x1b: {  	s9 =	sadd.s32 $0xFFFFFEF7, lr;
	s5 =	simm.s32 $0xFFFFFFFF;
	p2 =	slt.u32 s8, $0xFFFFF086  }
0x1c: {  	p1 =	slt.u32 s9, $0xF7A;
	s5 =	simm.s32 @!p2 $0x0  }
0x1d: {  	s5 =	simm.s32 @p1 $0x1;
	p0 =	seq.s32 s7, s2  }
0x1e: {  	s7 =	smul.u32 @!p0 $0xF7A, s2;
	p2 =	seq.s32 @!p0 s5, $0x0  }
0x1f: {  	s9 =	smul.u32 $0xF7A, s1;
	s8 =	simm.s32 @!p0 $0x1BF5;
	p2 =	por !p2, p0  }
0x20: {  	[sflag:s8] =	ssyncset.s32 @!p0 $0xFFFFF086;
	s6 =	sadd.s32 @!p0 s3, s7;
	s7 =	simm.s32 @!p0 $0x108  }
0x21: {  	s3 =	sadd.s32 s3, s9;
	s6 =	sadd.s32 @!p0 $0x88, s6;
	s7 =	simm.s32 @p2 $0x1082  }
0x22: {  	[simem:s7], [sflag:s8] =	dma.local @!p0 [hbm:s6], $0xF7A  }
0x23: {  	s9 =	sor.u32 $0xD0000000, s2;
	s6 =	simm.s32 $0x108;
	_ =	swait.ge @!p0 [sflag:s8], $0x0  }
0x24: {  	s3 =	sadd.s32 $0x88, s3;
	s6 =	simm.s32 @!p1 $0x1082;
	[sflag:s4] =	ssyncset.s32 $0xFFFFF086  }
0x25: {  	[simem:s6], [sflag:s4] =	dma.local [hbm:s3], $0xF7A  }
0x26: {  	[smem:$0x3F9F] =	sst s1;
	(tag) =	ssettag s2;
	_ =	strace s9  }
0x27: {  	s1 =	sld [smem:$0x3FAF]  }
0x28: {  	s2 =	sld [smem:$0x3FB0]  }
0x29: {  	s4 =	sld [smem:$0x3FB2]  }
0x2a: {  	p0 =	seq.s32 s5, $0x0;
	s5 =	sld [smem:$0x3FB3]  }
0x2b: {  	s6 =	sld [smem:$0x3FB4]  }
0x2c: {  	s7 =	sld [smem:$0x3FB5]  }
0x2d: {  	s3 =	simm.s32 $0x108;
	s8 =	sld [smem:$0x3FB6]  }
0x2e: {  	s3 =	simm.s32 @!p0 $0x1082;
	s9 =	sld [smem:$0x3FB7]  }
0x2f: {  	lr =	sadd.s32 s0, s3;
	s0 =	sld [smem:$0x3FAE]  }
0x30: {  	s3 =	sld [smem:$0x3FB1]  }
0x31: {  	[smem:$0x3FBA] =	sst s10  }
0x32: {  	s10 =	sld [smem:$0x3FB8];
	_ =	sdelay $0x3  }
0x33: {  	p0 =	seq.s32 s10, $0x1;
	s10 =	sld [smem:$0x3FBA];
	_ =	sdelay $0x3  }
0x34: {  	[smem:$0x3FBA] =	sst s10  }
0x35: {  	s10 =	sld [smem:$0x3FB9];
	_ =	sdelay $0x3  }
0x36: {  	p1 =	seq.s32 s10, $0x1;
	s10 =	sld [smem:$0x3FBA];
	_ =	sdelay $0x3  }
0x37: {  	[smem:$0x3FBA] =	sst s10  }
0x38: {  	s10 =	sld [smem:$0x3FBB]  }
0x39: {  	_ = 	snop;
	(pc) =	sbr.ind lr, $3  }
0x3a: {  	_ = 	snop  }
0x3b: {  	_ = 	snop  }
0x3c: {  	p2 =	seq.s32 s10, $0x1;
	s10 =	sld [smem:$0x3FBA]  }
0x3d: {  	_ =	shalt  }
0x3e: {  	_ =	shalt  }
0x3f: {  	_ =	shalt  }
0x40: {  	_ =	shalt  }
0x41: {  	_ =	shalt  }
0x42: {  	_ =	shalt  }
0x43: {  	_ =	shalt  }
0x44: {  	_ =	shalt  }
0x45: {  	_ =	shalt  }
0x46: {  	_ =	shalt  }
0x47: {  	_ =	shalt  }
0x48: {  	_ =	shalt  }
0x49: {  	_ =	shalt  }
0x4a: {  	_ =	shalt  }
0x4b: {  	_ =	shalt  }
0x4c: {  	_ =	shalt  }
0x4d: {  	_ =	shalt  }
0x4e: {  	_ =	shalt  }
0x4f: {  	_ =	shalt  }
0x50: {  	_ =	shalt  }
0x51: {  	_ =	shalt  }
0x52: {  	_ =	shalt  }
0x53: {  	_ =	shalt  }
0x54: {  	_ =	shalt  }
0x55: {  	_ =	shalt  }
0x56: {  	_ =	shalt  }
0x57: {  	_ =	shalt  }
0x58: {  	_ =	shalt  }
0x59: {  	_ =	shalt  }
0x5a: {  	_ =	shalt  }
0x5b: {  	_ =	shalt  }
0x5c: {  	_ =	shalt  }
0x5d: {  	_ =	shalt  }
0x5e: {  	_ =	shalt  }
0x5f: {  	_ =	shalt  }
0x60: {  	_ =	shalt  }
0x61: {  	_ =	shalt  }
0x62: {  	_ =	shalt  }
0x63: {  	_ =	shalt  }
0x64: {  	_ =	shalt  }
0x65: {  	_ =	shalt  }
0x66: {  	_ =	shalt  }
0x67: {  	_ =	shalt  }
0x68: {  	_ =	shalt  }
0x69: {  	_ =	shalt  }
0x6a: {  	_ =	shalt  }
0x6b: {  	_ =	shalt  }
0x6c: {  	_ =	shalt  }
0x6d: {  	_ =	shalt  }
0x6e: {  	_ =	shalt  }
0x6f: {  	_ =	shalt  }
0x70: {  	_ =	shalt  }
0x71: {  	_ =	shalt  }
0x72: {  	_ =	shalt  }
0x73: {  	_ =	shalt  }
0x74: {  	_ =	shalt  }
0x75: {  	_ =	shalt  }
0x76: {  	_ =	shalt  }
0x77: {  	_ =	shalt  }
0x78: {  	_ =	shalt  }
0x79: {  	_ =	shalt  }
0x7a: {  	_ =	shalt  }
0x7b: {  	_ =	shalt  }
0x7c: {  	_ =	shalt  }
0x7d: {  	_ =	shalt  }
0x7e: {  	_ =	shalt  }
0x7f: {  	_ =	shalt  }
0x80: {  	_ =	shalt  }
0x81: {  	_ =	shalt  }
0x82: {  	_ =	shalt  }
0x83: {  	_ =	shalt  }
0x84: {  	_ =	shalt  }
0x85: {  	_ =	shalt  }
0x86: {  	_ =	shalt  }
0x87: {  	_ =	shalt  }
.Lfunc_end0:
.L_simem_size_0:
called_computation_lowered:
.L_overlay_start_0:
0x88: {  	s2 =	sld [smem:$0x3FD9]  }
0x89: {  	s3 =	sld [smem:$0x3FFE];
	_ =	sdelay $0x1  }
0x8a: {  	s1 =	srdreg.scid  }
0x8b: {  	s0 =	sand.u32 $0x1, s1  }
0x8c: {  	s16 =	sshll.u32 s0, $0xA;
	s2 =	sadd.s32 s3, s2  }
0x8d: {  	s2 =	sadd.s32 s2, s16  }
0x8e: {  	[smem:$0x3FC6] =	sst s2  }
0x8f: {  	_ = 	snop  }
0x90: {  	(tm) =	ssettm $0x1  }
0x91: {  	s17 =	sld [smem:$0x3FFB];
	_ =	sdelay $0x3  }
0x92: {  	_ =	strace s17  }
0x93: {  	s2 =	sld [smem:$0x3FFC];
	_ =	sdelay $0x3  }
0x94: {  	_ =	strace s2  }
0x95: {  	s2 =	sld [smem:$0x3FFD];
	_ =	sdelay $0x3  }
0x96: {  	_ =	strace s2  }
0x97: {  	_ =	strace $0x8FFFFFFF  }
0x98: {  	s18 =	sld [smem:$0x3FDB];
	_ =	sdelay $0x1  }
0x99: {  	s19 =	simm.s32 $_scs_section_size  }
0x9a: {  	s4 =	simm.s32 $_size__tile_overlayer_lowered;
	s5 =	simm.s32 $_tile_overlayer_lowered  }
0x9b: {  	s22 =	simm.s32 $0x1BFF;
	s21 =	sshll.u32 s5, $0x1;
	s2 =	sadd.s32 s19, s18  }
0x9c: {  	s6 =	simm.s32 $0x0;
	s20 =	sshll.u32 s4, $0x1;
	s4 =	sadd.s32 s21, s2  }
0x9d: {  	[timem:s6], [sflag:s22] =	dma.local [hbm:s4], s20  }
0x9e: {  	_ =	swait.ge [sflag:s22], s20  }
0x9f: {  	s3 =	ssub.s32 $0x0, s20;
	[sflag:s22] =	ssyncset.done $0x0  }
0xa0: {  	[sflag:s22] =	ssyncadd.s32 s3;
	_ =	sdelay $0x1  }
0xa1: {  	s23 =	simm.s32 $0x1B8B  }
0xa2: {  	_ =	swait.ge [sflag:s23], $0x1  }
0xa3: {  	[sflag:s23] =	ssyncset.done $0x0  }
0xa4: {  	s25 =	simm.s32 $0x1B8E;
	s24 =	sld [smem:$0x3FFE];
	[sflag:s23] =	ssyncadd.s32 $0xFFFFFFFF  }
0xa5: {  	s26 =	simm.s32 $execute0_lowered;
	[smem:$0x3FD2] =	sst s25  }
0xa6: {  	s4 =	sshll.u32 s26, $0x1;
	_ =	strace $0x80000046;
	[dreg:$0x1] =	wrdreg $0xFFFFFFFF  }
0xa7: {  	s28 =	simm.s32 $_size_execute0_lowered;
	s2 =	sadd.s32 s2, s4;
	[dreg:$0x0] =	wrdreg $0x0  }
0xa8: {  	s4 =	sshll.u32 s28, $0x1;
	[dreg:$0x2] =	wrdreg s2  }
0xa9: {  	[dreg:$0x3] =	wrdreg s4  }
0xaa: {  	[dreg:$0x4] =	wrdreg $0xC0  }
0xab: {  	_ =	task [dreg:s6], $0x5FFFF  }
0xac: {  	[dreg:$0x1] =	wrdreg $0xFFFFFFFF  }
0xad: {  	[dreg:$0x0] =	wrdreg $0x60  }
0xae: {  	[dreg:$0x2] =	wrdreg s24  }
0xaf: {  	[dreg:$0x3] =	wrdreg $0x9  }
0xb0: {  	_ =	task.clear_ibuf [dreg:s6], $0x4FFFF;
	_ =	strace $0x90000046  }
0xb1: {  	s29 =	simm.s32 $0x9;
	_ =	strace $0x80000048  }
0xb2: {  	_ =	swait.ge [sflag:s29], $0x1  }
0xb3: {  	[sflag:s29] =	ssyncadd.s32 $0xFFFFFFFF  }
0xb4: {  	_ =	strace $0x90000048  }
0xb5: {  	_ =	sfence  }
0xb6: {  	s30 =	sld [smem:$0x0];
	_ =	sdelay $0x2  }
0xb7: {  	s31 =	sshll.u32 s1, $0xD;
	s1 =	sshrl.u32 s1, $0x2  }
0xb8: {  	s3 =	sand.u32 $0x4000, s31;
	s1 =	sadd.s32 s1, s30  }
0xb9: {  	s0 =	sor.u32 s3, s0;
	s1 =	sshll.u32 s1, $0x11  }
0xba: {  	s0 =	sor.u32 s1, s0  }
0xbb: {  	s0 =	sadd.s32 $0x8F2B, s0  }
0xbc: {  	[sflag:s0] =	ssyncadd.remote.s32 $0x1  }
0xbd: {  	_ =	sfence.sel $0xFFFF  }
0xbe: {  	[dreg:$0x0] =	wrdreg $0xFFFFFFFF;
	(pc) =	sbr.abs _section_cstart, $3  }
0xbf: {  	[dreg:$0x1] =	wrdreg $0xFFFFFFFF  }
0xc0: {  	_ =	task.clear_ibuf [dreg:s6], $0x2FFFF;
	_ =	strace $0x9FFFFFFF  }
0xc1: {  	(tm) =	ssettm $0x7FFFFFFF  }
tec
execute0_lowered:
.L_overlay_start_1:
0x0: {  	(tag) =	ssettag $0x1  }
0x1: {  	s7 =	rddreg [dreg:$0x0]  }
0x2: {  	s0 =	rddreg [dreg:$0x1];
	_ =	strace $0x80000047  }
0x3: {  	s1 =	srdreg.scid;
	s4 =	simm.s32 $0x1;
	s9 =	simm.s32 $0x3  }
0x4: {  	s11 =	simm.s32 $0x0;
	p0 =	por $0x0, $0x0;
	s5 =	sshll.u32 s1, $0x4  }
.Ltmp0:
0x5: {  	s1 =	stileid.u32;
	s5 =	sand.u32 $0x10, s5;
	(pc) =	sbr.rel .LBB2_1-.Ltmp0, $4  }
0x6: {  	s2 =	sadd.s32 $0x41800, s7;
	s3 =	sadd.s32 $0xC2000, s7;
	s6 =	sor.u32 s1, s5  }
0x7: {  	[sflag:s4] =	ssyncpa.u1 $0x0;
	s5 =	simm.s32 $0x2;
	s6 =	sshll.u32 s6, $0x8  }
0x8: {  	s7 =	sadd.s32 $0xC2400, s7;
	[sflag:s5] =	ssyncpa.u1 $0x0;
	s8 =	sadd.s32 $0x100, s6  }
0x9: {  	vm0 =	vmmov $0xff;
	vm1 =	vcmask $0x3F20;
	[sflag:s9] =	ssyncpa.u1 $0x0;
	s10 =	smov.u32 s6;
	s9 =	simm.s32 $0x0  }
.LBB2_8:
0xa: {  	[hbm:s15] =	stream.linear.scatter [tilespmem:s12], [sflag:$0x3], $0x800, $0x38;
	[tilespmem:$0x10100] =	vst v63  }
.LBB2_9:
0xb: {  	p1 =	slt.u32 s9, $0x2;
	s11 =	sadd.s32 $0x80, s10  }
0xc: {  	s13 =	smov.u32 s6;
	s9 =	sadd.s32 $0x1, s9;
	p2 =	slt.s32 s11, s8  }
0xd: {  	s13 =	smov.u32 @p2 s11;
	p2 =	sne.s32 s9, $0x4  }
.Ltmp1:
0xe: {  	_ = 	snop;
	(pc) =	sbr.rel @!p2 .LBB2_10-.Ltmp1, $4  }
0xf: {  	s12 =	simm.s32 @!p1 $0x3  }
0x10: {  	_ =	swait.ge @!p1 [sflag:s12], $0x8000  }
0x11: {  	p0 =	por !p0, !p0;
	[sflag:s12] =	ssyncset.done @!p1 $0x0  }
0x12: {  	s11 =	smov.u32 s10;
	s10 =	smov.u32 s13;
	[sflag:s12] =	ssyncadd.s32 @!p1 $0xFFFF8000  }
.LBB2_1:
0x13: {  	p1 =	sgt.u32 s9, $0x1  }
0x14: {  	s12 =	sshll.u32 @!p1 s9, $0x7;
	s13 =	sshrl.u32 @!p1 s10, $0x3  }
0x15: {  	s14 =	sand.u32 @!p1 $0x7, s10;
	s12 =	sxor.u32 @!p1 $0x80, s12;
	s13 =	sadd.s32 @!p1 s3, s13  }
0x16: {  	[tilespmem:s12], [sflag:$0x2] =	stream.linear.gather @!p1 [hbm4b:s13+s14], $0x80, $0x38;
	[tilespmem:$0x10100] =	vst v63  }
0x17: {  	p1 =	seq.s32 s9, $0x0  }
0x18: {  	p2 =	seq.s32 @!p1 s9, $0x3  }
0x19: {  	p1 =	por p1, p2  }
.Ltmp2:
0x1a: {  	_ = 	snop;
	(pc) =	sbr.rel @p1 .LBB2_9-.Ltmp2, $1  }
0x1b: {  	_ =	sdelay $0x3  }
0x1c: {  	s12 =	simm.s32 $0x1;
	_ =	swait.ge [sflag:s5], $0x80;
	s13 =	sand.u32 $0x1, s9  }
0x1d: {  	s15 =	simm.s32 $0x0;
	s12 =	simm.s32 @!p0 $0x0;
	[sflag:s5] =	ssyncset.done $0x0  }
0x1e: {  	s14 =	sshll.u32 s13, $0xF;
	s13 =	sshll.u32 s13, $0x7;
	s12 =	sshll.u32 s12, $0xF  }
0x1f: {  	[sflag:s5] =	ssyncadd.s32 $0xFFFFFF80;
	s14 =	sor.u32 $0x100, s14;
	s12 =	sor.u32 $0x100, s12  }
.LBB2_3:
0x20: {  	s16 =	sshll.u32 s15, $0x4  }
0x21: {  	s16 =	sand.u32 $0x3FFFFFF0, s16  }
0x22: {  	s16 =	sadd.s32 s16, s13  }
0x23: {  	v0 =	vld.msk [tilespmem:s16+$0x0 ss:$0x1], $0xffff;
	_ =	sdelay $0x4  }
0x24: {  	vm2 =	vgt.s32 v0, $0x0  }
0x25: {  	v0 =	vnsel vm2, $0x0, v0  }
0x26: {  	v0 =	vmin.u32 v0, $0x1FFF  }
0x27: {  	s31 =	sshll.u32 s15, $0xC;
	v1 =	vshll.u32 v0, $0x5;
	v0 =	vshll.u32 v0, $0x4  }
0x28: {  	s16 =	sand.u32 $0x3FFFF000, s31;
	v1 =	vand.u32 $0x3FF00, v1;
	v0 =	vand.u32 $0x70, v0  }
0x29: {  	p1 =	por $0x1, $0x1;
	s17 =	simm.s32 $0x0;
	s16 =	sadd.s32 s16, s14;
	v0 =	vor.u32 v0, v1  }
.LBB2_4:
0x2a: {  	_ =	sdelay $0x1  }
0x2b: {  	s17 =	sshra.s32 s17, $0x2;
	p2 =	por p1, p1  }
.Ltmp3:
0x2c: {  	s17 =	sadd.s32 s17, s16;
	(pc) =	sbr.rel @p2 .LBB2_4-.Ltmp3, $4  }
0x2d: {  	[tilespmem:s17], [sflag:$0x1] =	stream.indirect_vreg.gather [hbm:s2], $0x80, v0, vm0, $0x38;
	[tilespmem:$0x10100] =	vst v63  }
0x2e: {  	s17 =	sadd.s32 $0x800, s17  }
0x2f: {  	[tilespmem:s17], [sflag:$0x1] =	stream.indirect_vreg.gather [hbm:s2], $0x80, v0, vm1, $0x38;
	[tilespmem:$0x10100] =	vst v63  }
0x30: {  	p1 =	por $0x0, $0x0;
	v0 =	vadd.s32 $0x80, v0;
	s17 =	simm.s32 $0x1000  }
0x31: {  	s15 =	sadd.s32 $0x1, s15  }
0x32: {  	p1 =	sne.s32 s15, $0x8  }
.Ltmp4:
0x33: {  	_ = 	snop;
	(pc) =	sbr.rel @p1 .LBB2_3-.Ltmp4, $1  }
0x34: {  	_ =	sdelay $0x3  }
0x35: {  	s13 =	sshll.u32 s11, $0x5  }
0x36: {  	s31 =	sshll.u32 s11, $0x4;
	s13 =	sand.u32 $0xFFFFFF00, s13  }
0x37: {  	_ =	swait.ge [sflag:s4], $0x8000;
	s11 =	sand.u32 $0x70, s31;
	s13 =	sadd.s32 s13, s7  }
0x38: {  	s14 =	sadd.s32 $0x800, s12;
	[sflag:s4] =	ssyncset.done $0x0;
	s11 =	sadd.s32 s11, s13  }
0x39: {  	[sflag:s4] =	ssyncadd.s32 $0xFFFF8000;
	s13 =	simm.s32 $0x100;
	s15 =	sadd.s32 $0x0, s11  }
.LBB2_7:
0x3a: {  	[hbm:s15] =	stream.linear.scatter [tilespmem:s12], [sflag:$0x3], $0x800, $0x38;
	[tilespmem:$0x10100] =	vst v63  }
0x3b: {  	s15 =	smov.u32 s13;
	s12 =	smov.u32 s14;
	p1 =	sne.s32 s13, $0xF00  }
.Ltmp5:
0x3c: {  	s13 =	sadd.s32 $0x100, s13;
	(pc) =	sbr.rel @p1 .LBB2_7-.Ltmp5, $2  }
0x3d: {  	_ =	sdelay $0x2  }
0x3e: {  	s14 =	sadd.s32 $0x800, s14;
	s15 =	sadd.s32 s15, s11  }
.Ltmp6:
0x3f: {  	_ = 	snop;
	(pc) =	sbr.rel .LBB2_8-.Ltmp6, $1  }
0x40: {  	_ =	sdelay $0x3  }
.LBB2_10:
0x41: {  	_ =	sfence.sel $0x180000  }
0x42: {  	s2 =	simm.s32 $0x2;
	[bflag:$0x0] =	sbarrier.arrive $0xFFFF  }
0x43: {  	s30 =	simm.s32 $0x3;
	[sflag:s2] =	ssyncpa.u1 $0x1  }
0x44: {  	s31 =	simm.s32 $0x1;
	[sflag:s30] =	ssyncpa.u1 $0x1  }
0x45: {  	[sflag:s31] =	ssyncpa.u1 $0x1  }
0x46: {  	p0 =	sne.s32 s1, $0x0;
	_ =	strace $0x90000047  }
0x47: {  	s0 =	sadd.s32 @!p0 $0x100000, s0;
	[bflag:$0x2] =	sbarrier.arrive $0xFFFF  }
0x48: {  	[sflag:s0] =	ssyncadd.tile.s32 @!p0 $0x1;
	_ =	shalt  }
.Lfunc_end2:
_tile_overlayer_lowered:
.L_overlay_start_2:
0x49: {  	(tag) =	ssettag $0x2  }
0x4a: {  	s0 =	rddreg [dreg:$0x0];
	s2 =	stileid.u32  }
0x4b: {  	s1 =	rddreg [dreg:$0x1];
	p0 =	sne.s32 s2, $0x0  }
0x4c: {  	s3 =	rddreg [dreg:$0x2];
	[bflag:$0x3] =	sbarrier.arrive $0xFFFF;
	s2 =	simm.s32 @!p0 $0x1C01  }
0x4d: {  	[timem:s3], [sflag:s2] =	dma.local @!p0 [hbm:s0], s1  }
0x4e: {  	s0 =	simm.s32 @!p0 $0x1  }
0x4f: {  	_ =	swait.ge @!p0 [sflag:s0], s1  }
0x50: {  	s1 =	ssub.s32 @!p0 $0x0, s1;
	[sflag:s0] =	ssyncset.done @!p0 $0x0  }
0x51: {  	[sflag:s0] =	ssyncadd.s32 @!p0 s1  }
0x52: {  	[bflag:$0x3] =	sbarrier.arrive $0xFFFF  }
0x53: {  	_ =	shalt  }

</sc_bundles>
